<compile_context>
chip_gen: v7x
topology: tpu7x:2x2x1
jax: 0.10.2.dev20260603
libtpu: 0.0.44.dev20260713+nightly
codegen_flags: <defaults>
</compile_context>

<pallas_src>
import functools

import jax
import jax.numpy as jnp
from jax import lax
from jax.experimental import pallas as pl
from jax.experimental.pallas import tpu as pltpu
from jax.experimental.pallas import tpu_sc as plsc

_V = 1024
_F = 2048
_T = 4096
_UP = 3
_K = 5
_STD = 0.05
_Q = _T * _UP + _F
_BQ = 256
_G = 512
_NO = _T // _G

_f32 = jnp.float32
_i32 = jnp.int32
_IMAX = jnp.iinfo(jnp.int32).max


_B_GATHER = 3 * _F
_DPAD = 128


@functools.lru_cache(maxsize=1)
def _make_sc_gather():
    info = plsc.get_sparse_core_info()
    nc, ns = info.num_cores, info.num_subcores
    nw = nc * ns
    b_per_w = _B_GATHER // nw
    chunk = 96
    nchunk = b_per_w // chunk
    assert b_per_w % chunk == 0
    mesh = plsc.VectorSubcoreMesh(core_axis_name="c", subcore_axis_name="s")

    @functools.partial(
        pl.kernel,
        mesh=mesh,
        out_type=jax.ShapeDtypeStruct((_B_GATHER, _DPAD), _f32),
        scratch_types=[
            pltpu.VMEM((chunk,), _i32),
            pltpu.VMEM((chunk, _DPAD), _f32),
            pltpu.SemaphoreType.DMA,
        ],
    )
    def k(table_hbm, idx_hbm, out_hbm, idx_v, rows_v, sem):
        wid = lax.axis_index("s") * nc + lax.axis_index("c")
        base = wid * b_per_w
        for j in range(nchunk):
            off = base + j * chunk
            pltpu.sync_copy(idx_hbm.at[pl.ds(off, chunk)], idx_v)
            pltpu.async_copy(table_hbm.at[idx_v], rows_v, sem).wait()
            pltpu.sync_copy(rows_v, out_hbm.at[pl.ds(off, chunk)])

    return k


def _prep_tab_kernel(rt_ref, ftab_ref):
    a = rt_ref[0:3, 0:_F]
    b = rt_ref[0:3, _F : 2 * _F]
    c = rt_ref[0:3, 2 * _F : 3 * _F]
    ab = b - a
    ac = c - a
    ftab_ref[0:3, :] = a
    ftab_ref[3:6, :] = ab
    ftab_ref[6:9, :] = ac
    aa = jnp.sum(ab * ab, axis=0, keepdims=True)
    e = jnp.sum(ab * ac, axis=0, keepdims=True)
    cc = jnp.sum(ac * ac, axis=0, keepdims=True)
    gce = cc - e
    gae = aa - e
    ftab_ref[9:10, :] = jnp.sum(ab * a, axis=0, keepdims=True)
    ftab_ref[10:11, :] = jnp.sum(ac * a, axis=0, keepdims=True)
    ftab_ref[11:12, :] = aa
    ftab_ref[12:13, :] = e
    ftab_ref[13:14, :] = cc
    ftab_ref[14:15, :] = gce
    ftab_ref[15:16, :] = gae
    ftab_ref[16:17, :] = gae * cc + e * gce
    ftab_ref[17:24, :] = jnp.zeros((7, _F), _f32)


def _main_kernel(qp_ref, ftab_ref, tgtt_ref, tgq_ref, out_ref):
    i = pl.program_id(0)

    p = qp_ref[:, :]
    px = p[:, 0:1]
    py = p[:, 1:2]
    pz = p[:, 2:3]

    abx = ftab_ref[3:4, :]
    aby = ftab_ref[4:5, :]
    abz = ftab_ref[5:6, :]
    acx = ftab_ref[6:7, :]
    acy = ftab_ref[7:8, :]
    acz = ftab_ref[8:9, :]
    d1 = ((abx * px + aby * py) + abz * pz) - ftab_ref[9:10, :]
    d2_ = ((acx * px + acy * py) + acz * pz) - ftab_ref[10:11, :]
    aa = ftab_ref[11:12, :]
    e = ftab_ref[12:13, :]
    cc = ftab_ref[13:14, :]
    gce = ftab_ref[14:15, :]
    gae = ftab_ref[15:16, :]
    det = ftab_ref[16:17, :]
    d3 = d1 - aa
    d4 = d2_ - e
    d5 = d1 - e
    d6 = d2_ - cc

    d21 = d2_ - d1
    vb = gce * d1 - e * d21
    vc = gae * d2_ + e * d21
    va = det - (gce * d1 + gae * d2_)
    eps = 1e-12
    rcp = 1.0 / ((va + vb) + vc + eps)
    v = vb * rcp
    w = vc * rcp
    s1 = d4 - d3
    s2 = d5 - d6
    tbc = s1 / ((s1 + s2) + eps)
    m = (va <= 0) & (s1 >= 0) & (s2 >= 0)
    v = jnp.where(m, 1.0 - tbc, v)
    w = jnp.where(m, tbc, w)
    tac = d2_ / ((d2_ - d6) + eps)
    m = (vb <= 0) & (d2_ >= 0) & (d6 <= 0)
    v = jnp.where(m, 0.0, v)
    w = jnp.where(m, tac, w)
    m = (d6 >= 0) & (d5 <= d6)
    v = jnp.where(m, 0.0, v)
    w = jnp.where(m, 1.0, w)
    tab = d1 / ((d1 - d3) + eps)
    m = (vc <= 0) & (d1 >= 0) & (d3 <= 0)
    v = jnp.where(m, tab, v)
    w = jnp.where(m, 0.0, w)
    m = (d3 >= 0) & (d4 <= d3)
    v = jnp.where(m, 1.0, v)
    w = jnp.where(m, 0.0, w)
    m = (d1 <= 0) & (d2_ <= 0)
    v = jnp.where(m, 0.0, v)
    w = jnp.where(m, 0.0, w)

    clx = ftab_ref[0:1, :] + (v * abx + w * acx)
    cly = ftab_ref[1:2, :] + (v * aby + w * acy)
    clz = ftab_ref[2:3, :] + (v * abz + w * acz)
    ddx = px - clx
    ddy = py - cly
    ddz = pz - clz
    dsq = (ddx * ddx + ddy * ddy) + ddz * ddz

    ids_f = lax.broadcasted_iota(_i32, (_BQ, _F), 1)
    packed_a = jnp.bitwise_or(
        jnp.bitwise_and(lax.bitcast_convert_type(dsq, _i32), _i32(-2048)), ids_f
    )
    ma = jnp.min(packed_a, axis=1, keepdims=True)
    eqa = ids_f == jnp.bitwise_and(ma, _i32(2047))
    bcx = jnp.sum(jnp.where(eqa, clx, 0.0), axis=1, keepdims=True)
    bcy = jnp.sum(jnp.where(eqa, cly, 0.0), axis=1, keepdims=True)
    bcz = jnp.sum(jnp.where(eqa, clz, 0.0), axis=1, keepdims=True)

    dsx = px - bcx
    dsy = py - bcy
    dsz = pz - bcz
    t0 = dsx + 1e-10
    t1 = dsy + 1e-10
    t2 = dsz + 1e-10
    udf_s = jnp.sqrt((t0 * t0 + t1 * t1) + t2 * t2)

    dxt = px - tgtt_ref[0:1, :]
    dyt = py - tgtt_ref[1:2, :]
    dzt = pz - tgtt_ref[2:3, :]
    d2t = (dxt * dxt + dyt * dyt) + dzt * dzt

    ids_t = lax.broadcasted_iota(_i32, (_BQ, _T), 1)
    packed = jnp.bitwise_or(
        jnp.bitwise_and(lax.bitcast_convert_type(d2t, _i32), _i32(-4096)), ids_t
    )
    sl = [packed[:, j * _G : (j + 1) * _G] for j in range(_NO)]
    while len(sl) > 1:
        sl = [jnp.minimum(sl[2 * j], sl[2 * j + 1]) for j in range(len(sl) // 2)]
    gm = sl[0]

    odiv = lax.broadcasted_iota(_i32, (_BQ, 3 * _NO), 1) // 3
    ids_g = lax.broadcasted_iota(_i32, (_BQ, _G), 1)
    acc = jnp.zeros((_BQ, 3 * _NO), _f32)
    s = jnp.zeros((_BQ, 1), _f32)
    for k in range(_K):
        mk = jnp.min(gm, axis=1, keepdims=True)
        eq = ids_g == jnp.bitwise_and(mk, _i32(_G - 1))
        g1 = eq.astype(jnp.bfloat16)
        both = lax.dot_general(
            g1,
            tgq_ref[:, :],
            (((1,), (0,)), ((), ())),
            preferred_element_type=_f32,
        )
        tmpk = both[:, 0 : 3 * _NO] + both[:, 3 * _NO : 6 * _NO]
        dk = lax.bitcast_convert_type(jnp.bitwise_and(mk, _i32(-4096)), _f32)
        wk = 1.0 / (dk + 1e-8)
        s = s + wk
        ok = jnp.right_shift(jnp.bitwise_and(mk, _i32(4095)), _i32(_G.bit_length() - 1))
        acc = acc + jnp.where(odiv == ok, tmpk * wk, 0.0)
        if k < _K - 1:
            gm = jnp.where(eq, _IMAX, gm)

    def _csum(c):
        t = [acc[:, 3 * o + c : 3 * o + c + 1] for o in range(_NO)]
        while len(t) > 1:
            t = [t[2 * j] + t[2 * j + 1] for j in range(len(t) // 2)]
        return t[0]

    spx = _csum(0) / s
    spy = _csum(1) / s
    spz = _csum(2) / s
    dtx = px - spx
    dty = py - spy
    dtz = pz - spz
    r0 = dtx + 1e-10
    r1 = dty + 1e-10
    r2 = dtz + 1e-10
    udf_t = jnp.sqrt((r0 * r0 + r1 * r1) + r2 * r2)

    err = (
        (jnp.abs(dsx - dtx) + jnp.abs(dsy - dty)) + jnp.abs(dsz - dtz)
    ) + jnp.abs(udf_s - udf_t)
    tot = jnp.sum(err)

    ri = lax.broadcasted_iota(_i32, (8, 128), 0)
    ci = lax.broadcasted_iota(_i32, (8, 128), 1)
    upd = jnp.where((ri == 0) & (ci == 0), tot, 0.0)

    @pl.when(i == 0)
    def _():
        out_ref[:, :] = jnp.zeros((8, 128), _f32)

    out_ref[:, :] += upd


@jax.jit
def kernel(src_v, src_f, tgt_points, noise):
    idx_flat = src_f.T.reshape(-1)
    table = jnp.zeros((_V, _DPAD), _f32).at[:, 0:3].set(src_v)
    rows = _make_sc_gather()(table, idx_flat)
    ftab = pl.pallas_call(
        _prep_tab_kernel,
        out_shape=jax.ShapeDtypeStruct((24, _F), _f32),
    )(rows[:, 0:3].T)

    center = ftab[0:3, :] + (ftab[3:6, :] + ftab[6:9, :]) / 3.0
    qp = jnp.concatenate(
        [(tgt_points[:, None, :] + _STD * noise).reshape(-1, 3), center.T], axis=0
    )
    tgtt = jnp.zeros((8, _T), _f32).at[0:3, :].set(tgt_points.T)
    tgq = jnp.transpose(tgt_points.reshape(_NO, _G, 3), (1, 0, 2)).reshape(
        _G, 3 * _NO
    )
    tgq_hi = tgq.astype(jnp.bfloat16)
    tgq_lo = (tgq - tgq_hi.astype(_f32)).astype(jnp.bfloat16)
    tgq2 = jnp.concatenate([tgq_hi, tgq_lo], axis=1)

    acc = pl.pallas_call(
        _main_kernel,
        grid=(_Q // _BQ,),
        in_specs=[
            pl.BlockSpec((_BQ, 3), lambda i: (i, 0)),
            pl.BlockSpec((24, _F), lambda i: (0, 0)),
            pl.BlockSpec((8, _T), lambda i: (0, 0)),
            pl.BlockSpec((_G, 6 * _NO), lambda i: (0, 0)),
        ],
        out_specs=pl.BlockSpec((8, 128), lambda i: (0, 0)),
        out_shape=jax.ShapeDtypeStruct((8, 128), _f32),
    )(qp, ftab, tgtt, tgq2)

    return acc[0, 0] / _Q

# --- scband reference (transcript-rebuilt; emitter-appended) ---
"""Pipeline reference for scband-dir-dist-m2-p-9723805958692 (READ-ONLY COPY).

The authoritative reference and input builder live on the scoring server;
editing this copy changes nothing except your own understanding.
"""

import jax, jax.numpy as jnp
import numpy as np

V = 1024
F = 2048
T = 4096
UP_RATIO = 3
BETA = 0.0
K = 5
STD = 0.05
CHUNK = 2048


def setup_inputs(seed: int = 0) -> dict:
    key = jax.random.key(seed)
    k1, k2, k3, k4 = jax.random.split(key, 4)
    src_v = jax.random.normal(k1, (V, 3), dtype=jnp.float32)
    src_f = jax.random.randint(k2, (F, 3), 0, V, dtype=jnp.int32)
    tgt_points = jax.random.normal(k3, (T, 3), dtype=jnp.float32)
    # torch.randn inside forward -> externalized for determinism
    noise = jax.random.normal(k4, (T, UP_RATIO, 3), dtype=jnp.float32)
    return {"src_v": src_v, "src_f": src_f, "tgt_points": tgt_points, "noise": noise}


def _closest_on_tris(p, a, b, c):
    # p: [C,3]; a,b,c: [F,3]. Ericson closest-point-on-triangle, vectorized.
    pq = p[:, None, :]
    A = a[None, :, :]; B = b[None, :, :]; Cc = c[None, :, :]
    ab = B - A; ac = Cc - A; ap = pq - A
    d1 = jnp.sum(ab * ap, -1); d2 = jnp.sum(ac * ap, -1)
    bp = pq - B; d3 = jnp.sum(ab * bp, -1); d4 = jnp.sum(ac * bp, -1)
    cp = pq - Cc; d5 = jnp.sum(ab * cp, -1); d6 = jnp.sum(ac * cp, -1)
    vc = d1 * d4 - d3 * d2
    vb = d5 * d2 - d1 * d6
    va = d3 * d6 - d5 * d4
    eps = 1e-12
    denom = va + vb + vc
    v = vb / (denom + eps); w = vc / (denom + eps); u = 1.0 - v - w
    # edge BC
    tbc = (d4 - d3) / ((d4 - d3) + (d5 - d6) + eps)
    m = (va <= 0) & ((d4 - d3) >= 0) & ((d5 - d6) >= 0)
    u = jnp.where(m, 0.0, u); v = jnp.where(m, 1.0 - tbc, v); w = jnp.where(m, tbc, w)
    # edge AC
    tac = d2 / (d2 - d6 + eps)
    m = (vb <= 0) & (d2 >= 0) & (d6 <= 0)
    u = jnp.where(m, 1.0 - tac, u); v = jnp.where(m, 0.0, v); w = jnp.where(m, tac, w)
    # vertex C
    m = (d6 >= 0) & (d5 <= d6)
    u = jnp.where(m, 0.0, u); v = jnp.where(m, 0.0, v); w = jnp.where(m, 1.0, w)
    # edge AB
    tab = d1 / (d1 - d3 + eps)
    m = (vc <= 0) & (d1 >= 0) & (d3 <= 0)
    u = jnp.where(m, 1.0 - tab, u); v = jnp.where(m, tab, v); w = jnp.where(m, 0.0, w)
    # vertex B
    m = (d3 >= 0) & (d4 <= d3)
    u = jnp.where(m, 0.0, u); v = jnp.where(m, 1.0, v); w = jnp.where(m, 0.0, w)
    # vertex A
    m = (d1 <= 0) & (d2 <= 0)
    u = jnp.where(m, 1.0, u); v = jnp.where(m, 0.0, v); w = jnp.where(m, 0.0, w)
    closest = u[..., None] * A + v[..., None] * B + w[..., None] * Cc
    dsq = jnp.sum((pq - closest) ** 2, -1)
    idx = jnp.argmin(dsq, axis=1).astype(jnp.int32)
    g = lambda x: jnp.take_along_axis(x, idx[:, None], axis=1)[:, 0]
    return idx, g(u), g(v), g(w)


def reference(src_v, src_f, tgt_points, noise):
    sg = jax.lax.stop_gradient
    f1 = src_v[src_f[:, 0]]
    f2 = src_v[src_f[:, 1]]
    f3 = src_v[src_f[:, 2]]
    center = (f1 + f2 + f3) / 3.0
    qp = (tgt_points[:, None, :] + STD * noise).reshape(-1, 3)
    qp = jnp.concatenate([sg(qp), sg(center)], axis=0)
    Q = qp.shape[0]
    nch = Q // CHUNK
    qc = qp.reshape(nch, CHUNK, 3)

    # custom op: closest_point_on_surface_forward (non-differentiable outputs)
    def surf(pc):
        return _closest_on_tris(pc, sg(f1), sg(f2), sg(f3))
    idx, w1, w2, w3 = jax.lax.map(surf, qc)
    idx = idx.reshape(-1)
    w1 = sg(w1.reshape(-1)); w2 = sg(w2.reshape(-1)); w3 = sg(w3.reshape(-1))
    s1 = f1[idx]; s2 = f2[idx]; s3 = f3[idx]
    closest_src = w1[:, None] * s1 + w2[:, None] * s2 + w3[:, None] * s3
    dir_src = qp - closest_src
    udf_src = jnp.linalg.norm(dir_src + 1e-10, axis=-1, keepdims=True)
    geo_src = jnp.concatenate([dir_src, udf_src], axis=1)

    # knn_points(query, tgt, K, return_nn=True, return_sorted=True): squared dists, ascending
    def knnf(pc):
        d2 = jnp.sum((pc[:, None, :] - tgt_points[None, :, :]) ** 2, -1)
        negd, ti = jax.lax.top_k(-d2, K)
        return -negd, ti
    dists, tidx = jax.lax.map(knnf, qc)
    dists = dists.reshape(Q, K)
    tidx = tidx.reshape(Q, K)
    knn_pc = tgt_points[tidx]  # [Q, K, 3]
    dirv = qp[:, None, :] - knn_pc
    norm = jnp.sum(1.0 / (dists + 1e-08), axis=1, keepdims=True)
    weights = 1.0 / (sg(dists) + 1e-08) / sg(norm)
    dir_tgt = jnp.sum(dirv * weights[..., None], axis=1)
    udf_tgt = jnp.linalg.norm(dir_tgt + 1e-10, axis=1)
    geo_tgt = jnp.concatenate([dir_tgt, udf_tgt[:, None]], axis=-1)
    errors = jnp.sum(jnp.abs(geo_src - geo_tgt), axis=-1)
    query_weights = sg(jnp.exp(-errors * BETA))
    return jnp.mean(errors * query_weights)

if __name__ == "__main__":
    import jax
    _d = setup_inputs()
    print(jax.jit(kernel)(*tuple(_d.values())))

</pallas_src>

<mosaic_0001>
#map = affine_map<(d0, d1) -> (0, 0)>
#map1 = affine_map<(d0, d1) -> (0)>
module attributes {stable_mosaic.version = 14 : i64} {
  func.func @k(%arg0: i32, %arg1: i32, %arg2: memref<1024x128xf32, #tpu.memory_space<hbm>>, %arg3: memref<6144xi32, #tpu.memory_space<hbm>>, %arg4: memref<6144x128xf32, #tpu.memory_space<hbm>>, %arg5: memref<96xi32, #tpu.memory_space<vmem>>, %arg6: memref<96x128xf32, #tpu.memory_space<vmem>>, %arg7: memref<!tpu.dma_semaphore, #tpu.memory_space<semaphore_mem>>) attributes {dimension_semantics = [#tpu.dimension_semantics<core_parallel>, #tpu.dimension_semantics<subcore_parallel>], iteration_bounds = array<i64: 2, 16>, scalar_prefetch = 0 : i64, scratch_operands = 3 : i64, tpu.core_type = #tpu.core_type<sc_vector_subcore>, window_params = [{transform_indices = #map}, {transform_indices = #map1}, {transform_indices = #map}]} {
    %mul3A = arith.constant 2 : i32
    %mul3A_0 = arith.muli %arg1, %mul3A : i32
    %add3A = arith.addi %mul3A_0, %arg0 : i32
    %mul3A_1 = arith.constant 192 : i32
    %mul3A_2 = arith.muli %add3A, %mul3A_1 : i32
    %add3A_3 = arith.constant 0 : i32
    %add3A_4 = arith.addi %mul3A_2, %add3A_3 : i32
    "tpu.region"() ({
      %run_scoped3A = tpu.sem_alloc : memref<!tpu.dma_semaphore, #tpu.memory_space<semaphore_mem>>
      %dma_start3A_17 = tpu.memref_slice %arg3[%add3A_4] : memref<6144xi32, #tpu.memory_space<hbm>> -> memref<96xi32, #tpu.memory_space<hbm>>
      %dma_start3A_18 = tpu.memref_slice %arg3[%add3A_4] : memref<6144xi32, #tpu.memory_space<hbm>> -> memref<96xi32, #tpu.memory_space<hbm>>
      tpu.enqueue_dma source(%dma_start3A_18 : memref<96xi32, #tpu.memory_space<hbm>>) target(%arg5 : memref<96xi32, #tpu.memory_space<vmem>>) target_semaphore(%run_scoped3A : memref<!tpu.dma_semaphore, #tpu.memory_space<semaphore_mem>>)
      %dma_wait3A_19 = tpu.memref_slice %arg3[%add3A_4] : memref<6144xi32, #tpu.memory_space<hbm>> -> memref<96xi32, #tpu.memory_space<hbm>>
      %dma_wait3A_20 = tpu.memref_slice %arg3[%add3A_4] : memref<6144xi32, #tpu.memory_space<hbm>> -> memref<96xi32, #tpu.memory_space<hbm>>
      tpu.wait_dma2 semaphore(%run_scoped3A : memref<!tpu.dma_semaphore, #tpu.memory_space<semaphore_mem>>) src(%dma_wait3A_20 : memref<96xi32, #tpu.memory_space<hbm>>) dst(%arg5 : memref<96xi32, #tpu.memory_space<vmem>>)
      tpu.yield
    }) : () -> ()
    %dma_start3A = arith.constant 0 : i32
    %dma_start3A_5 = arith.constant 0 : i32
    %dma_start3A_6 = tpu.memref_slice %arg2[%dma_start3A, %dma_start3A_5] : memref<1024x128xf32, #tpu.memory_space<hbm>> -> memref<1024x128xf32, #tpu.memory_space<hbm>>
    tpu.enqueue_indirect_dma source(%dma_start3A_6 : memref<1024x128xf32, #tpu.memory_space<hbm>>) target(%arg6 : memref<96x128xf32, #tpu.memory_space<vmem>>) offsets(%arg5 : memref<96xi32, #tpu.memory_space<vmem>>) semaphore(%arg7 : memref<!tpu.dma_semaphore, #tpu.memory_space<semaphore_mem>>)
    %dma_wait3A = arith.constant 0 : i32
    %dma_wait3A_7 = arith.constant 0 : i32
    %dma_wait3A_8 = tpu.memref_slice %arg2[%dma_wait3A, %dma_wait3A_7] : memref<1024x128xf32, #tpu.memory_space<hbm>> -> memref<1024x128xf32, #tpu.memory_space<hbm>>
    tpu.wait_indirect_dma semaphore(%arg7 : memref<!tpu.dma_semaphore, #tpu.memory_space<semaphore_mem>>) src(%dma_wait3A_8 : memref<1024x128xf32, #tpu.memory_space<hbm>>) dst(%arg6 : memref<96x128xf32, #tpu.memory_space<vmem>>)
    "tpu.region"() ({
      %run_scoped3A = tpu.sem_alloc : memref<!tpu.dma_semaphore, #tpu.memory_space<semaphore_mem>>
      %dma_start3A_17 = arith.constant 0 : i32
      %dma_start3A_18 = tpu.memref_slice %arg4[%add3A_4, %dma_start3A_17] : memref<6144x128xf32, #tpu.memory_space<hbm>> -> memref<96x128xf32, #tpu.memory_space<hbm>>
      %dma_start3A_19 = arith.constant 0 : i32
      %dma_start3A_20 = tpu.memref_slice %arg4[%add3A_4, %dma_start3A_19] : memref<6144x128xf32, #tpu.memory_space<hbm>> -> memref<96x128xf32, #tpu.memory_space<hbm>>
      tpu.enqueue_dma source(%arg6 : memref<96x128xf32, #tpu.memory_space<vmem>>) target(%dma_start3A_20 : memref<96x128xf32, #tpu.memory_space<hbm>>) target_semaphore(%run_scoped3A : memref<!tpu.dma_semaphore, #tpu.memory_space<semaphore_mem>>)
      %dma_wait3A_21 = arith.constant 0 : i32
      %dma_wait3A_22 = tpu.memref_slice %arg4[%add3A_4, %dma_wait3A_21] : memref<6144x128xf32, #tpu.memory_space<hbm>> -> memref<96x128xf32, #tpu.memory_space<hbm>>
      %dma_wait3A_23 = arith.constant 0 : i32
      %dma_wait3A_24 = tpu.memref_slice %arg4[%add3A_4, %dma_wait3A_23] : memref<6144x128xf32, #tpu.memory_space<hbm>> -> memref<96x128xf32, #tpu.memory_space<hbm>>
      tpu.wait_dma2 semaphore(%run_scoped3A : memref<!tpu.dma_semaphore, #tpu.memory_space<semaphore_mem>>) src(%arg6 : memref<96x128xf32, #tpu.memory_space<vmem>>) dst(%dma_wait3A_24 : memref<96x128xf32, #tpu.memory_space<hbm>>)
      tpu.yield
    }) : () -> ()
    %add3A_9 = arith.constant 96 : i32
    %add3A_10 = arith.addi %mul3A_2, %add3A_9 : i32
    "tpu.region"() ({
      %run_scoped3A = tpu.sem_alloc : memref<!tpu.dma_semaphore, #tpu.memory_space<semaphore_mem>>
      %dma_start3A_17 = tpu.memref_slice %arg3[%add3A_10] : memref<6144xi32, #tpu.memory_space<hbm>> -> memref<96xi32, #tpu.memory_space<hbm>>
      %dma_start3A_18 = tpu.memref_slice %arg3[%add3A_10] : memref<6144xi32, #tpu.memory_space<hbm>> -> memref<96xi32, #tpu.memory_space<hbm>>
      tpu.enqueue_dma source(%dma_start3A_18 : memref<96xi32, #tpu.memory_space<hbm>>) target(%arg5 : memref<96xi32, #tpu.memory_space<vmem>>) target_semaphore(%run_scoped3A : memref<!tpu.dma_semaphore, #tpu.memory_space<semaphore_mem>>)
      %dma_wait3A_19 = tpu.memref_slice %arg3[%add3A_10] : memref<6144xi32, #tpu.memory_space<hbm>> -> memref<96xi32, #tpu.memory_space<hbm>>
      %dma_wait3A_20 = tpu.memref_slice %arg3[%add3A_10] : memref<6144xi32, #tpu.memory_space<hbm>> -> memref<96xi32, #tpu.memory_space<hbm>>
      tpu.wait_dma2 semaphore(%run_scoped3A : memref<!tpu.dma_semaphore, #tpu.memory_space<semaphore_mem>>) src(%dma_wait3A_20 : memref<96xi32, #tpu.memory_space<hbm>>) dst(%arg5 : memref<96xi32, #tpu.memory_space<vmem>>)
      tpu.yield
    }) : () -> ()
    %dma_start3A_11 = arith.constant 0 : i32
    %dma_start3A_12 = arith.constant 0 : i32
    %dma_start3A_13 = tpu.memref_slice %arg2[%dma_start3A_11, %dma_start3A_12] : memref<1024x128xf32, #tpu.memory_space<hbm>> -> memref<1024x128xf32, #tpu.memory_space<hbm>>
    tpu.enqueue_indirect_dma source(%dma_start3A_13 : memref<1024x128xf32, #tpu.memory_space<hbm>>) target(%arg6 : memref<96x128xf32, #tpu.memory_space<vmem>>) offsets(%arg5 : memref<96xi32, #tpu.memory_space<vmem>>) semaphore(%arg7 : memref<!tpu.dma_semaphore, #tpu.memory_space<semaphore_mem>>)
    %dma_wait3A_14 = arith.constant 0 : i32
    %dma_wait3A_15 = arith.constant 0 : i32
    %dma_wait3A_16 = tpu.memref_slice %arg2[%dma_wait3A_14, %dma_wait3A_15] : memref<1024x128xf32, #tpu.memory_space<hbm>> -> memref<1024x128xf32, #tpu.memory_space<hbm>>
    tpu.wait_indirect_dma semaphore(%arg7 : memref<!tpu.dma_semaphore, #tpu.memory_space<semaphore_mem>>) src(%dma_wait3A_16 : memref<1024x128xf32, #tpu.memory_space<hbm>>) dst(%arg6 : memref<96x128xf32, #tpu.memory_space<vmem>>)
    "tpu.region"() ({
      %run_scoped3A = tpu.sem_alloc : memref<!tpu.dma_semaphore, #tpu.memory_space<semaphore_mem>>
      %dma_start3A_17 = arith.constant 0 : i32
      %dma_start3A_18 = tpu.memref_slice %arg4[%add3A_10, %dma_start3A_17] : memref<6144x128xf32, #tpu.memory_space<hbm>> -> memref<96x128xf32, #tpu.memory_space<hbm>>
      %dma_start3A_19 = arith.constant 0 : i32
      %dma_start3A_20 = tpu.memref_slice %arg4[%add3A_10, %dma_start3A_19] : memref<6144x128xf32, #tpu.memory_space<hbm>> -> memref<96x128xf32, #tpu.memory_space<hbm>>
      tpu.enqueue_dma source(%arg6 : memref<96x128xf32, #tpu.memory_space<vmem>>) target(%dma_start3A_20 : memref<96x128xf32, #tpu.memory_space<hbm>>) target_semaphore(%run_scoped3A : memref<!tpu.dma_semaphore, #tpu.memory_space<semaphore_mem>>)
      %dma_wait3A_21 = arith.constant 0 : i32
      %dma_wait3A_22 = tpu.memref_slice %arg4[%add3A_10, %dma_wait3A_21] : memref<6144x128xf32, #tpu.memory_space<hbm>> -> memref<96x128xf32, #tpu.memory_space<hbm>>
      %dma_wait3A_23 = arith.constant 0 : i32
      %dma_wait3A_24 = tpu.memref_slice %arg4[%add3A_10, %dma_wait3A_23] : memref<6144x128xf32, #tpu.memory_space<hbm>> -> memref<96x128xf32, #tpu.memory_space<hbm>>
      tpu.wait_dma2 semaphore(%run_scoped3A : memref<!tpu.dma_semaphore, #tpu.memory_space<semaphore_mem>>) src(%arg6 : memref<96x128xf32, #tpu.memory_space<vmem>>) dst(%dma_wait3A_24 : memref<96x128xf32, #tpu.memory_space<hbm>>)
      tpu.yield
    }) : () -> ()
    return
  }
}

module attributes {stable_mosaic.version = 14 : i64} {
  func.func @_prep_tab_kernel(%arg0: memref<3x6144xf32, #tpu.memory_space<vmem>>, %arg1: memref<24x2048xf32, #tpu.memory_space<vmem>>) attributes {dimension_semantics = [], scalar_prefetch = 0 : i64, scratch_operands = 0 : i64, tpu.core_type = #tpu.core_type<tc>} {
    %get3A = arith.constant 0 : index
    %get3A_0 = arith.constant 0 : index
    %get3A_1 = vector.load %arg0[%get3A, %get3A_0] : memref<3x6144xf32, #tpu.memory_space<vmem>>, vector<3x2048xf32>
    %get3A_2 = arith.constant 0 : index
    %get3A_3 = arith.constant 2048 : index
    %get3A_4 = vector.load %arg0[%get3A_2, %get3A_3] : memref<3x6144xf32, #tpu.memory_space<vmem>>, vector<3x2048xf32>
    %get3A_5 = arith.constant 0 : index
    %get3A_6 = arith.constant 4096 : index
    %get3A_7 = vector.load %arg0[%get3A_5, %get3A_6] : memref<3x6144xf32, #tpu.memory_space<vmem>>, vector<3x2048xf32>
    %sub3A = arith.subf %get3A_4, %get3A_1 : vector<3x2048xf32>
    %sub3A_8 = arith.subf %get3A_7, %get3A_1 : vector<3x2048xf32>
    %swap3A = arith.constant 0 : index
    %swap3A_9 = arith.constant 0 : index
    %swap3A_10 = vector.load %arg1[%swap3A, %swap3A_9] : memref<24x2048xf32, #tpu.memory_space<vmem>>, vector<3x2048xf32>
    tpu.vector_store %arg1[%swap3A, %swap3A_9], %get3A_1 {strides = array<i32>} : memref<24x2048xf32, #tpu.memory_space<vmem>>, vector<3x2048xf32>,
    %swap3A_11 = arith.constant 3 : index
    %swap3A_12 = arith.constant 0 : index
    %swap3A_13 = vector.load %arg1[%swap3A_11, %swap3A_12] : memref<24x2048xf32, #tpu.memory_space<vmem>>, vector<3x2048xf32>
    tpu.vector_store %arg1[%swap3A_11, %swap3A_12], %sub3A {strides = array<i32>} : memref<24x2048xf32, #tpu.memory_space<vmem>>, vector<3x2048xf32>,
    %swap3A_14 = arith.constant 6 : index
    %swap3A_15 = arith.constant 0 : index
    %swap3A_16 = vector.load %arg1[%swap3A_14, %swap3A_15] : memref<24x2048xf32, #tpu.memory_space<vmem>>, vector<3x2048xf32>
    tpu.vector_store %arg1[%swap3A_14, %swap3A_15], %sub3A_8 {strides = array<i32>} : memref<24x2048xf32, #tpu.memory_space<vmem>>, vector<3x2048xf32>,
    %mul3A = arith.mulf %sub3A, %sub3A : vector<3x2048xf32>
    %reduce_sum3A = arith.constant dense<0.000000e+00> : vector<2048xf32>
    %reduce_sum3A_17 = vector.multi_reduction <add>, %mul3A, %reduce_sum3A [0] : vector<3x2048xf32> to vector<2048xf32>
    %broadcast_in_dim3A = vector.shape_cast %reduce_sum3A_17 : vector<2048xf32> to vector<1x2048xf32>
    %mul3A_18 = arith.mulf %sub3A, %sub3A_8 : vector<3x2048xf32>
    %reduce_sum3A_19 = arith.constant dense<0.000000e+00> : vector<2048xf32>
    %reduce_sum3A_20 = vector.multi_reduction <add>, %mul3A_18, %reduce_sum3A_19 [0] : vector<3x2048xf32> to vector<2048xf32>
    %broadcast_in_dim3A_21 = vector.shape_cast %reduce_sum3A_20 : vector<2048xf32> to vector<1x2048xf32>
    %mul3A_22 = arith.mulf %sub3A_8, %sub3A_8 : vector<3x2048xf32>
    %reduce_sum3A_23 = arith.constant dense<0.000000e+00> : vector<2048xf32>
    %reduce_sum3A_24 = vector.multi_reduction <add>, %mul3A_22, %reduce_sum3A_23 [0] : vector<3x2048xf32> to vector<2048xf32>
    %broadcast_in_dim3A_25 = vector.shape_cast %reduce_sum3A_24 : vector<2048xf32> to vector<1x2048xf32>
    %sub3A_26 = arith.subf %broadcast_in_dim3A_25, %broadcast_in_dim3A_21 : vector<1x2048xf32>
    %sub3A_27 = arith.subf %broadcast_in_dim3A, %broadcast_in_dim3A_21 : vector<1x2048xf32>
    %mul3A_28 = arith.mulf %sub3A, %get3A_1 : vector<3x2048xf32>
    %reduce_sum3A_29 = arith.constant dense<0.000000e+00> : vector<2048xf32>
    %reduce_sum3A_30 = vector.multi_reduction <add>, %mul3A_28, %reduce_sum3A_29 [0] : vector<3x2048xf32> to vector<2048xf32>
    %broadcast_in_dim3A_31 = vector.shape_cast %reduce_sum3A_30 : vector<2048xf32> to vector<1x2048xf32>
    %swap3A_32 = arith.constant 9 : index
    %swap3A_33 = arith.constant 0 : index
    %swap3A_34 = vector.load %arg1[%swap3A_32, %swap3A_33] : memref<24x2048xf32, #tpu.memory_space<vmem>>, vector<1x2048xf32>
    tpu.vector_store %arg1[%swap3A_32, %swap3A_33], %broadcast_in_dim3A_31 {strides = array<i32>} : memref<24x2048xf32, #tpu.memory_space<vmem>>, vector<1x2048xf32>,
    %mul3A_35 = arith.mulf %sub3A_8, %get3A_1 : vector<3x2048xf32>
    %reduce_sum3A_36 = arith.constant dense<0.000000e+00> : vector<2048xf32>
    %reduce_sum3A_37 = vector.multi_reduction <add>, %mul3A_35, %reduce_sum3A_36 [0] : vector<3x2048xf32> to vector<2048xf32>
    %broadcast_in_dim3A_38 = vector.shape_cast %reduce_sum3A_37 : vector<2048xf32> to vector<1x2048xf32>
    %swap3A_39 = arith.constant 10 : index
    %swap3A_40 = arith.constant 0 : index
    %swap3A_41 = vector.load %arg1[%swap3A_39, %swap3A_40] : memref<24x2048xf32, #tpu.memory_space<vmem>>, vector<1x2048xf32>
    tpu.vector_store %arg1[%swap3A_39, %swap3A_40], %broadcast_in_dim3A_38 {strides = array<i32>} : memref<24x2048xf32, #tpu.memory_space<vmem>>, vector<1x2048xf32>,
    %swap3A_42 = arith.constant 11 : index
    %swap3A_43 = arith.constant 0 : index
    %swap3A_44 = vector.load %arg1[%swap3A_42, %swap3A_43] : memref<24x2048xf32, #tpu.memory_space<vmem>>, vector<1x2048xf32>
    tpu.vector_store %arg1[%swap3A_42, %swap3A_43], %broadcast_in_dim3A {strides = array<i32>} : memref<24x2048xf32, #tpu.memory_space<vmem>>, vector<1x2048xf32>,
    %swap3A_45 = arith.constant 12 : index
    %swap3A_46 = arith.constant 0 : index
    %swap3A_47 = vector.load %arg1[%swap3A_45, %swap3A_46] : memref<24x2048xf32, #tpu.memory_space<vmem>>, vector<1x2048xf32>
    tpu.vector_store %arg1[%swap3A_45, %swap3A_46], %broadcast_in_dim3A_21 {strides = array<i32>} : memref<24x2048xf32, #tpu.memory_space<vmem>>, vector<1x2048xf32>,
    %swap3A_48 = arith.constant 13 : index
    %swap3A_49 = arith.constant 0 : index
    %swap3A_50 = vector.load %arg1[%swap3A_48, %swap3A_49] : memref<24x2048xf32, #tpu.memory_space<vmem>>, vector<1x2048xf32>
    tpu.vector_store %arg1[%swap3A_48, %swap3A_49], %broadcast_in_dim3A_25 {strides = array<i32>} : memref<24x2048xf32, #tpu.memory_space<vmem>>, vector<1x2048xf32>,
    %swap3A_51 = arith.constant 14 : index
    %swap3A_52 = arith.constant 0 : index
    %swap3A_53 = vector.load %arg1[%swap3A_51, %swap3A_52] : memref<24x2048xf32, #tpu.memory_space<vmem>>, vector<1x2048xf32>
    tpu.vector_store %arg1[%swap3A_51, %swap3A_52], %sub3A_26 {strides = array<i32>} : memref<24x2048xf32, #tpu.memory_space<vmem>>, vector<1x2048xf32>,
    %swap3A_54 = arith.constant 15 : index
    %swap3A_55 = arith.constant 0 : index
    %swap3A_56 = vector.load %arg1[%swap3A_54, %swap3A_55] : memref<24x2048xf32, #tpu.memory_space<vmem>>, vector<1x2048xf32>
    tpu.vector_store %arg1[%swap3A_54, %swap3A_55], %sub3A_27 {strides = array<i32>} : memref<24x2048xf32, #tpu.memory_space<vmem>>, vector<1x2048xf32>,
    %mul3A_57 = arith.mulf %sub3A_27, %broadcast_in_dim3A_25 : vector<1x2048xf32>
    %mul3A_58 = arith.mulf %broadcast_in_dim3A_21, %sub3A_26 : vector<1x2048xf32>
    %add3A = arith.addf %mul3A_57, %mul3A_58 : vector<1x2048xf32>
    %swap3A_59 = arith.constant 16 : index
    %swap3A_60 = arith.constant 0 : index
    %swap3A_61 = vector.load %arg1[%swap3A_59, %swap3A_60] : memref<24x2048xf32, #tpu.memory_space<vmem>>, vector<1x2048xf32>
    tpu.vector_store %arg1[%swap3A_59, %swap3A_60], %add3A {strides = array<i32>} : memref<24x2048xf32, #tpu.memory_space<vmem>>, vector<1x2048xf32>,
    %broadcast_in_dim3A_62 = arith.constant 0.000000e+00 : f32
    %broadcast_in_dim3A_63 = vector.broadcast %broadcast_in_dim3A_62 : f32 to vector<7x2048xf32>
    %swap3A_64 = arith.constant 17 : index
    %swap3A_65 = arith.constant 0 : index
    %swap3A_66 = vector.load %arg1[%swap3A_64, %swap3A_65] : memref<24x2048xf32, #tpu.memory_space<vmem>>, vector<7x2048xf32>
    tpu.vector_store %arg1[%swap3A_64, %swap3A_65], %broadcast_in_dim3A_63 {strides = array<i32>} : memref<24x2048xf32, #tpu.memory_space<vmem>>, vector<7x2048xf32>,
    return
  }
}

module attributes {stable_mosaic.version = 14 : i64} {
  func.func @_main_kernel(%arg0: i32, %arg1: memref<256x3xf32, #tpu.memory_space<vmem>>, %arg2: memref<24x2048xf32, #tpu.memory_space<vmem>>, %arg3: memref<8x4096xf32, #tpu.memory_space<vmem>>, %arg4: memref<512x48xbf16, #tpu.memory_space<vmem>>, %arg5: memref<8x128xf32, #tpu.memory_space<vmem>>) attributes {dimension_semantics = [#tpu.dimension_semantics<arbitrary>], iteration_bounds = array<i64: 56>, scalar_prefetch = 0 : i64, scratch_operands = 0 : i64, tpu.core_type = #tpu.core_type<tc>, window_params = [{transform_indices = @transform_0, window_bounds = array<i64: 256, 3>}, {pipeline_mode = #tpu.pipeline_mode<synchronous>, transform_indices = @transform_1, window_bounds = array<i64: 24, 2048>}, {pipeline_mode = #tpu.pipeline_mode<synchronous>, transform_indices = @transform_2, window_bounds = array<i64: 8, 4096>}, {pipeline_mode = #tpu.pipeline_mode<synchronous>, transform_indices = @transform_3, window_bounds = array<i64: 512, 48>}, {pipeline_mode = #tpu.pipeline_mode<synchronous>, transform_indices = @transform_4, window_bounds = array<i64: 8, 128>}]} {
    %get3A = arith.constant 0 : index
    %get3A_0 = arith.constant 0 : index
    %get3A_1 = vector.load %arg1[%get3A, %get3A_0] : memref<256x3xf32, #tpu.memory_space<vmem>>, vector<256x3xf32>
    %slice3A = vector.extract_strided_slice %get3A_1 {offsets = [0, 0], sizes = [256, 1], strides = [1, 1]} : vector<256x3xf32> to vector<256x1xf32>
    %slice3A_2 = vector.extract_strided_slice %get3A_1 {offsets = [0, 1], sizes = [256, 1], strides = [1, 1]} : vector<256x3xf32> to vector<256x1xf32>
    %slice3A_3 = vector.extract_strided_slice %get3A_1 {offsets = [0, 2], sizes = [256, 1], strides = [1, 1]} : vector<256x3xf32> to vector<256x1xf32>
    %get3A_4 = arith.constant 3 : index
    %get3A_5 = arith.constant 0 : index
    %get3A_6 = vector.load %arg2[%get3A_4, %get3A_5] : memref<24x2048xf32, #tpu.memory_space<vmem>>, vector<1x2048xf32>
    %get3A_7 = arith.constant 4 : index
    %get3A_8 = arith.constant 0 : index
    %get3A_9 = vector.load %arg2[%get3A_7, %get3A_8] : memref<24x2048xf32, #tpu.memory_space<vmem>>, vector<1x2048xf32>
    %get3A_10 = arith.constant 5 : index
    %get3A_11 = arith.constant 0 : index
    %get3A_12 = vector.load %arg2[%get3A_10, %get3A_11] : memref<24x2048xf32, #tpu.memory_space<vmem>>, vector<1x2048xf32>
    %get3A_13 = arith.constant 6 : index
    %get3A_14 = arith.constant 0 : index
    %get3A_15 = vector.load %arg2[%get3A_13, %get3A_14] : memref<24x2048xf32, #tpu.memory_space<vmem>>, vector<1x2048xf32>
    %get3A_16 = arith.constant 7 : index
    %get3A_17 = arith.constant 0 : index
    %get3A_18 = vector.load %arg2[%get3A_16, %get3A_17] : memref<24x2048xf32, #tpu.memory_space<vmem>>, vector<1x2048xf32>
    %get3A_19 = arith.constant 8 : index
    %get3A_20 = arith.constant 0 : index
    %get3A_21 = vector.load %arg2[%get3A_19, %get3A_20] : memref<24x2048xf32, #tpu.memory_space<vmem>>, vector<1x2048xf32>
    %mul3A = vector.broadcast %get3A_6 : vector<1x2048xf32> to vector<256x2048xf32>
    %mul3A_22 = vector.broadcast %slice3A : vector<256x1xf32> to vector<256x2048xf32>
    %mul3A_23 = arith.mulf %mul3A, %mul3A_22 : vector<256x2048xf32>
    %mul3A_24 = vector.broadcast %get3A_9 : vector<1x2048xf32> to vector<256x2048xf32>
    %mul3A_25 = vector.broadcast %slice3A_2 : vector<256x1xf32> to vector<256x2048xf32>
    %mul3A_26 = arith.mulf %mul3A_24, %mul3A_25 : vector<256x2048xf32>
    %add3A = arith.addf %mul3A_23, %mul3A_26 : vector<256x2048xf32>
    %mul3A_27 = vector.broadcast %get3A_12 : vector<1x2048xf32> to vector<256x2048xf32>
    %mul3A_28 = vector.broadcast %slice3A_3 : vector<256x1xf32> to vector<256x2048xf32>
    %mul3A_29 = arith.mulf %mul3A_27, %mul3A_28 : vector<256x2048xf32>
    %add3A_30 = arith.addf %add3A, %mul3A_29 : vector<256x2048xf32>
    %get3A_31 = arith.constant 9 : index
    %get3A_32 = arith.constant 0 : index
    %get3A_33 = vector.load %arg2[%get3A_31, %get3A_32] : memref<24x2048xf32, #tpu.memory_space<vmem>>, vector<1x2048xf32>
    %sub3A = vector.broadcast %get3A_33 : vector<1x2048xf32> to vector<256x2048xf32>
    %sub3A_34 = arith.subf %add3A_30, %sub3A : vector<256x2048xf32>
    %mul3A_35 = vector.broadcast %get3A_15 : vector<1x2048xf32> to vector<256x2048xf32>
    %mul3A_36 = vector.broadcast %slice3A : vector<256x1xf32> to vector<256x2048xf32>
    %mul3A_37 = arith.mulf %mul3A_35, %mul3A_36 : vector<256x2048xf32>
    %mul3A_38 = vector.broadcast %get3A_18 : vector<1x2048xf32> to vector<256x2048xf32>
    %mul3A_39 = vector.broadcast %slice3A_2 : vector<256x1xf32> to vector<256x2048xf32>
    %mul3A_40 = arith.mulf %mul3A_38, %mul3A_39 : vector<256x2048xf32>
    %add3A_41 = arith.addf %mul3A_37, %mul3A_40 : vector<256x2048xf32>
    %mul3A_42 = vector.broadcast %get3A_21 : vector<1x2048xf32> to vector<256x2048xf32>
    %mul3A_43 = vector.broadcast %slice3A_3 : vector<256x1xf32> to vector<256x2048xf32>
    %mul3A_44 = arith.mulf %mul3A_42, %mul3A_43 : vector<256x2048xf32>
    %add3A_45 = arith.addf %add3A_41, %mul3A_44 : vector<256x2048xf32>
    %get3A_46 = arith.constant 10 : index
    %get3A_47 = arith.constant 0 : index
    %get3A_48 = vector.load %arg2[%get3A_46, %get3A_47] : memref<24x2048xf32, #tpu.memory_space<vmem>>, vector<1x2048xf32>
    %sub3A_49 = vector.broadcast %get3A_48 : vector<1x2048xf32> to vector<256x2048xf32>
    %sub3A_50 = arith.subf %add3A_45, %sub3A_49 : vector<256x2048xf32>
    %get3A_51 = arith.constant 11 : index
    %get3A_52 = arith.constant 0 : index
    %get3A_53 = vector.load %arg2[%get3A_51, %get3A_52] : memref<24x2048xf32, #tpu.memory_space<vmem>>, vector<1x2048xf32>
    %get3A_54 = arith.constant 12 : index
    %get3A_55 = arith.constant 0 : index
    %get3A_56 = vector.load %arg2[%get3A_54, %get3A_55] : memref<24x2048xf32, #tpu.memory_space<vmem>>, vector<1x2048xf32>
    %get3A_57 = arith.constant 13 : index
    %get3A_58 = arith.constant 0 : index
    %get3A_59 = vector.load %arg2[%get3A_57, %get3A_58] : memref<24x2048xf32, #tpu.memory_space<vmem>>, vector<1x2048xf32>
    %get3A_60 = arith.constant 14 : index
    %get3A_61 = arith.constant 0 : index
    %get3A_62 = vector.load %arg2[%get3A_60, %get3A_61] : memref<24x2048xf32, #tpu.memory_space<vmem>>, vector<1x2048xf32>
    %get3A_63 = arith.constant 15 : index
    %get3A_64 = arith.constant 0 : index
    %get3A_65 = vector.load %arg2[%get3A_63, %get3A_64] : memref<24x2048xf32, #tpu.memory_space<vmem>>, vector<1x2048xf32>
    %get3A_66 = arith.constant 16 : index
    %get3A_67 = arith.constant 0 : index
    %get3A_68 = vector.load %arg2[%get3A_66, %get3A_67] : memref<24x2048xf32, #tpu.memory_space<vmem>>, vector<1x2048xf32>
    %sub3A_69 = vector.broadcast %get3A_53 : vector<1x2048xf32> to vector<256x2048xf32>
    %sub3A_70 = arith.subf %sub3A_34, %sub3A_69 : vector<256x2048xf32>
    %sub3A_71 = vector.broadcast %get3A_56 : vector<1x2048xf32> to vector<256x2048xf32>
    %sub3A_72 = arith.subf %sub3A_50, %sub3A_71 : vector<256x2048xf32>
    %sub3A_73 = vector.broadcast %get3A_56 : vector<1x2048xf32> to vector<256x2048xf32>
    %sub3A_74 = arith.subf %sub3A_34, %sub3A_73 : vector<256x2048xf32>
    %sub3A_75 = vector.broadcast %get3A_59 : vector<1x2048xf32> to vector<256x2048xf32>
    %sub3A_76 = arith.subf %sub3A_50, %sub3A_75 : vector<256x2048xf32>
    %sub3A_77 = arith.subf %sub3A_50, %sub3A_34 : vector<256x2048xf32>
    %mul3A_78 = vector.broadcast %get3A_62 : vector<1x2048xf32> to vector<256x2048xf32>
    %mul3A_79 = arith.mulf %mul3A_78, %sub3A_34 : vector<256x2048xf32>
    %mul3A_80 = vector.broadcast %get3A_56 : vector<1x2048xf32> to vector<256x2048xf32>
    %mul3A_81 = arith.mulf %mul3A_80, %sub3A_77 : vector<256x2048xf32>
    %sub3A_82 = arith.subf %mul3A_79, %mul3A_81 : vector<256x2048xf32>
    %mul3A_83 = vector.broadcast %get3A_65 : vector<1x2048xf32> to vector<256x2048xf32>
    %mul3A_84 = arith.mulf %mul3A_83, %sub3A_50 : vector<256x2048xf32>
    %mul3A_85 = vector.broadcast %get3A_56 : vector<1x2048xf32> to vector<256x2048xf32>
    %mul3A_86 = arith.mulf %mul3A_85, %sub3A_77 : vector<256x2048xf32>
    %add3A_87 = arith.addf %mul3A_84, %mul3A_86 : vector<256x2048xf32>
    %mul3A_88 = vector.broadcast %get3A_62 : vector<1x2048xf32> to vector<256x2048xf32>
    %mul3A_89 = arith.mulf %mul3A_88, %sub3A_34 : vector<256x2048xf32>
    %mul3A_90 = vector.broadcast %get3A_65 : vector<1x2048xf32> to vector<256x2048xf32>
    %mul3A_91 = arith.mulf %mul3A_90, %sub3A_50 : vector<256x2048xf32>
    %add3A_92 = arith.addf %mul3A_89, %mul3A_91 : vector<256x2048xf32>
    %sub3A_93 = vector.broadcast %get3A_68 : vector<1x2048xf32> to vector<256x2048xf32>
    %sub3A_94 = arith.subf %sub3A_93, %add3A_92 : vector<256x2048xf32>
    %add3A_95 = arith.addf %sub3A_94, %sub3A_82 : vector<256x2048xf32>
    %add3A_96 = arith.addf %add3A_95, %add3A_87 : vector<256x2048xf32>
    %add3A_97 = arith.constant 9.99999996E-13 : f32
    %add3A_98 = vector.broadcast %add3A_97 : f32 to vector<256x2048xf32>
    %add3A_99 = arith.addf %add3A_96, %add3A_98 : vector<256x2048xf32>
    %div3A = arith.constant 1.000000e+00 : f32
    %div3A_100 = vector.broadcast %div3A : f32 to vector<256x2048xf32>
    %div3A_101 = arith.divf %div3A_100, %add3A_99 : vector<256x2048xf32>
    %mul3A_102 = arith.mulf %sub3A_82, %div3A_101 : vector<256x2048xf32>
    %mul3A_103 = arith.mulf %add3A_87, %div3A_101 : vector<256x2048xf32>
    %sub3A_104 = arith.subf %sub3A_72, %sub3A_70 : vector<256x2048xf32>
    %sub3A_105 = arith.subf %sub3A_74, %sub3A_76 : vector<256x2048xf32>
    %add3A_106 = arith.addf %sub3A_104, %sub3A_105 : vector<256x2048xf32>
    %add3A_107 = arith.constant 9.99999996E-13 : f32
    %add3A_108 = vector.broadcast %add3A_107 : f32 to vector<256x2048xf32>
    %add3A_109 = arith.addf %add3A_106, %add3A_108 : vector<256x2048xf32>
    %div3A_110 = arith.divf %sub3A_104, %add3A_109 : vector<256x2048xf32>
    %le3A = arith.constant 0.000000e+00 : f32
    %le3A_111 = vector.broadcast %le3A : f32 to vector<256x2048xf32>
    %le3A_112 = arith.cmpf ole, %sub3A_94, %le3A_111 : vector<256x2048xf32>
    %ge3A = arith.constant 0.000000e+00 : f32
    %ge3A_113 = vector.broadcast %ge3A : f32 to vector<256x2048xf32>
    %ge3A_114 = arith.cmpf oge, %sub3A_104, %ge3A_113 : vector<256x2048xf32>
    %and3A = arith.andi %le3A_112, %ge3A_114 : vector<256x2048xi1>
    %ge3A_115 = arith.constant 0.000000e+00 : f32
    %ge3A_116 = vector.broadcast %ge3A_115 : f32 to vector<256x2048xf32>
    %ge3A_117 = arith.cmpf oge, %sub3A_105, %ge3A_116 : vector<256x2048xf32>
    %and3A_118 = arith.andi %and3A, %ge3A_117 : vector<256x2048xi1>
    %sub3A_119 = arith.constant 1.000000e+00 : f32
    %sub3A_120 = vector.broadcast %sub3A_119 : f32 to vector<256x2048xf32>
    %sub3A_121 = arith.subf %sub3A_120, %div3A_110 : vector<256x2048xf32>
    %select_n3A = arith.select %and3A_118, %sub3A_121, %mul3A_102 : vector<256x2048xi1>, vector<256x2048xf32>
    %select_n3A_122 = arith.select %and3A_118, %div3A_110, %mul3A_103 : vector<256x2048xi1>, vector<256x2048xf32>
    %sub3A_123 = arith.subf %sub3A_50, %sub3A_76 : vector<256x2048xf32>
    %add3A_124 = arith.constant 9.99999996E-13 : f32
    %add3A_125 = vector.broadcast %add3A_124 : f32 to vector<256x2048xf32>
    %add3A_126 = arith.addf %sub3A_123, %add3A_125 : vector<256x2048xf32>
    %div3A_127 = arith.divf %sub3A_50, %add3A_126 : vector<256x2048xf32>
    %le3A_128 = arith.constant 0.000000e+00 : f32
    %le3A_129 = vector.broadcast %le3A_128 : f32 to vector<256x2048xf32>
    %le3A_130 = arith.cmpf ole, %sub3A_82, %le3A_129 : vector<256x2048xf32>
    %ge3A_131 = arith.constant 0.000000e+00 : f32
    %ge3A_132 = vector.broadcast %ge3A_131 : f32 to vector<256x2048xf32>
    %ge3A_133 = arith.cmpf oge, %sub3A_50, %ge3A_132 : vector<256x2048xf32>
    %and3A_134 = arith.andi %le3A_130, %ge3A_133 : vector<256x2048xi1>
    %le3A_135 = arith.constant 0.000000e+00 : f32
    %le3A_136 = vector.broadcast %le3A_135 : f32 to vector<256x2048xf32>
    %le3A_137 = arith.cmpf ole, %sub3A_76, %le3A_136 : vector<256x2048xf32>
    %and3A_138 = arith.andi %and3A_134, %le3A_137 : vector<256x2048xi1>
    %jit3A = arith.constant 0.000000e+00 : f32
    %broadcast_in_dim3A = vector.broadcast %jit3A : f32 to vector<256x2048xf32>
    %select_n3A_139 = arith.select %and3A_138, %broadcast_in_dim3A, %select_n3A : vector<256x2048xi1>, vector<256x2048xf32>
    %select_n3A_140 = arith.select %and3A_138, %div3A_127, %select_n3A_122 : vector<256x2048xi1>, vector<256x2048xf32>
    %ge3A_141 = arith.constant 0.000000e+00 : f32
    %ge3A_142 = vector.broadcast %ge3A_141 : f32 to vector<256x2048xf32>
    %ge3A_143 = arith.cmpf oge, %sub3A_76, %ge3A_142 : vector<256x2048xf32>
    %le3A_144 = arith.cmpf ole, %sub3A_74, %sub3A_76 : vector<256x2048xf32>
    %and3A_145 = arith.andi %ge3A_143, %le3A_144 : vector<256x2048xi1>
    %jit3A_146 = arith.constant 0.000000e+00 : f32
    %broadcast_in_dim3A_147 = vector.broadcast %jit3A_146 : f32 to vector<256x2048xf32>
    %select_n3A_148 = arith.select %and3A_145, %broadcast_in_dim3A_147, %select_n3A_139 : vector<256x2048xi1>, vector<256x2048xf32>
    %jit3A_149 = arith.constant 1.000000e+00 : f32
    %broadcast_in_dim3A_150 = vector.broadcast %jit3A_149 : f32 to vector<256x2048xf32>
    %select_n3A_151 = arith.select %and3A_145, %broadcast_in_dim3A_150, %select_n3A_140 : vector<256x2048xi1>, vector<256x2048xf32>
    %sub3A_152 = arith.subf %sub3A_34, %sub3A_70 : vector<256x2048xf32>
    %add3A_153 = arith.constant 9.99999996E-13 : f32
    %add3A_154 = vector.broadcast %add3A_153 : f32 to vector<256x2048xf32>
    %add3A_155 = arith.addf %sub3A_152, %add3A_154 : vector<256x2048xf32>
    %div3A_156 = arith.divf %sub3A_34, %add3A_155 : vector<256x2048xf32>
    %le3A_157 = arith.constant 0.000000e+00 : f32
    %le3A_158 = vector.broadcast %le3A_157 : f32 to vector<256x2048xf32>
    %le3A_159 = arith.cmpf ole, %add3A_87, %le3A_158 : vector<256x2048xf32>
    %ge3A_160 = arith.constant 0.000000e+00 : f32
    %ge3A_161 = vector.broadcast %ge3A_160 : f32 to vector<256x2048xf32>
    %ge3A_162 = arith.cmpf oge, %sub3A_34, %ge3A_161 : vector<256x2048xf32>
    %and3A_163 = arith.andi %le3A_159, %ge3A_162 : vector<256x2048xi1>
    %le3A_164 = arith.constant 0.000000e+00 : f32
    %le3A_165 = vector.broadcast %le3A_164 : f32 to vector<256x2048xf32>
    %le3A_166 = arith.cmpf ole, %sub3A_70, %le3A_165 : vector<256x2048xf32>
    %and3A_167 = arith.andi %and3A_163, %le3A_166 : vector<256x2048xi1>
    %select_n3A_168 = arith.select %and3A_167, %div3A_156, %select_n3A_148 : vector<256x2048xi1>, vector<256x2048xf32>
    %jit3A_169 = arith.constant 0.000000e+00 : f32
    %broadcast_in_dim3A_170 = vector.broadcast %jit3A_169 : f32 to vector<256x2048xf32>
    %select_n3A_171 = arith.select %and3A_167, %broadcast_in_dim3A_170, %select_n3A_151 : vector<256x2048xi1>, vector<256x2048xf32>
    %ge3A_172 = arith.constant 0.000000e+00 : f32
    %ge3A_173 = vector.broadcast %ge3A_172 : f32 to vector<256x2048xf32>
    %ge3A_174 = arith.cmpf oge, %sub3A_70, %ge3A_173 : vector<256x2048xf32>
    %le3A_175 = arith.cmpf ole, %sub3A_72, %sub3A_70 : vector<256x2048xf32>
    %and3A_176 = arith.andi %ge3A_174, %le3A_175 : vector<256x2048xi1>
    %jit3A_177 = arith.constant 1.000000e+00 : f32
    %broadcast_in_dim3A_178 = vector.broadcast %jit3A_177 : f32 to vector<256x2048xf32>
    %select_n3A_179 = arith.select %and3A_176, %broadcast_in_dim3A_178, %select_n3A_168 : vector<256x2048xi1>, vector<256x2048xf32>
    %jit3A_180 = arith.constant 0.000000e+00 : f32
    %broadcast_in_dim3A_181 = vector.broadcast %jit3A_180 : f32 to vector<256x2048xf32>
    %select_n3A_182 = arith.select %and3A_176, %broadcast_in_dim3A_181, %select_n3A_171 : vector<256x2048xi1>, vector<256x2048xf32>
    %le3A_183 = arith.constant 0.000000e+00 : f32
    %le3A_184 = vector.broadcast %le3A_183 : f32 to vector<256x2048xf32>
    %le3A_185 = arith.cmpf ole, %sub3A_34, %le3A_184 : vector<256x2048xf32>
    %le3A_186 = arith.constant 0.000000e+00 : f32
    %le3A_187 = vector.broadcast %le3A_186 : f32 to vector<256x2048xf32>
    %le3A_188 = arith.cmpf ole, %sub3A_50, %le3A_187 : vector<256x2048xf32>
    %and3A_189 = arith.andi %le3A_185, %le3A_188 : vector<256x2048xi1>
    %jit3A_190 = arith.constant 0.000000e+00 : f32
    %broadcast_in_dim3A_191 = vector.broadcast %jit3A_190 : f32 to vector<256x2048xf32>
    %select_n3A_192 = arith.select %and3A_189, %broadcast_in_dim3A_191, %select_n3A_179 : vector<256x2048xi1>, vector<256x2048xf32>
    %jit3A_193 = arith.constant 0.000000e+00 : f32
    %broadcast_in_dim3A_194 = vector.broadcast %jit3A_193 : f32 to vector<256x2048xf32>
    %select_n3A_195 = arith.select %and3A_189, %broadcast_in_dim3A_194, %select_n3A_182 : vector<256x2048xi1>, vector<256x2048xf32>
    %get3A_196 = arith.constant 0 : index
    %get3A_197 = arith.constant 0 : index
    %get3A_198 = vector.load %arg2[%get3A_196, %get3A_197] : memref<24x2048xf32, #tpu.memory_space<vmem>>, vector<1x2048xf32>
    %mul3A_199 = vector.broadcast %get3A_6 : vector<1x2048xf32> to vector<256x2048xf32>
    %mul3A_200 = arith.mulf %select_n3A_192, %mul3A_199 : vector<256x2048xf32>
    %mul3A_201 = vector.broadcast %get3A_15 : vector<1x2048xf32> to vector<256x2048xf32>
    %mul3A_202 = arith.mulf %select_n3A_195, %mul3A_201 : vector<256x2048xf32>
    %add3A_203 = arith.addf %mul3A_200, %mul3A_202 : vector<256x2048xf32>
    %add3A_204 = vector.broadcast %get3A_198 : vector<1x2048xf32> to vector<256x2048xf32>
    %add3A_205 = arith.addf %add3A_204, %add3A_203 : vector<256x2048xf32>
    %get3A_206 = arith.constant 1 : index
    %get3A_207 = arith.constant 0 : index
    %get3A_208 = vector.load %arg2[%get3A_206, %get3A_207] : memref<24x2048xf32, #tpu.memory_space<vmem>>, vector<1x2048xf32>
    %mul3A_209 = vector.broadcast %get3A_9 : vector<1x2048xf32> to vector<256x2048xf32>
    %mul3A_210 = arith.mulf %select_n3A_192, %mul3A_209 : vector<256x2048xf32>
    %mul3A_211 = vector.broadcast %get3A_18 : vector<1x2048xf32> to vector<256x2048xf32>
    %mul3A_212 = arith.mulf %select_n3A_195, %mul3A_211 : vector<256x2048xf32>
    %add3A_213 = arith.addf %mul3A_210, %mul3A_212 : vector<256x2048xf32>
    %add3A_214 = vector.broadcast %get3A_208 : vector<1x2048xf32> to vector<256x2048xf32>
    %add3A_215 = arith.addf %add3A_214, %add3A_213 : vector<256x2048xf32>
    %get3A_216 = arith.constant 2 : index
    %get3A_217 = arith.constant 0 : index
    %get3A_218 = vector.load %arg2[%get3A_216, %get3A_217] : memref<24x2048xf32, #tpu.memory_space<vmem>>, vector<1x2048xf32>
    %mul3A_219 = vector.broadcast %get3A_12 : vector<1x2048xf32> to vector<256x2048xf32>
    %mul3A_220 = arith.mulf %select_n3A_192, %mul3A_219 : vector<256x2048xf32>
    %mul3A_221 = vector.broadcast %get3A_21 : vector<1x2048xf32> to vector<256x2048xf32>
    %mul3A_222 = arith.mulf %select_n3A_195, %mul3A_221 : vector<256x2048xf32>
    %add3A_223 = arith.addf %mul3A_220, %mul3A_222 : vector<256x2048xf32>
    %add3A_224 = vector.broadcast %get3A_218 : vector<1x2048xf32> to vector<256x2048xf32>
    %add3A_225 = arith.addf %add3A_224, %add3A_223 : vector<256x2048xf32>
    %sub3A_226 = vector.broadcast %slice3A : vector<256x1xf32> to vector<256x2048xf32>
    %sub3A_227 = arith.subf %sub3A_226, %add3A_205 : vector<256x2048xf32>
    %sub3A_228 = vector.broadcast %slice3A_2 : vector<256x1xf32> to vector<256x2048xf32>
    %sub3A_229 = arith.subf %sub3A_228, %add3A_215 : vector<256x2048xf32>
    %sub3A_230 = vector.broadcast %slice3A_3 : vector<256x1xf32> to vector<256x2048xf32>
    %sub3A_231 = arith.subf %sub3A_230, %add3A_225 : vector<256x2048xf32>
    %mul3A_232 = arith.mulf %sub3A_227, %sub3A_227 : vector<256x2048xf32>
    %mul3A_233 = arith.mulf %sub3A_229, %sub3A_229 : vector<256x2048xf32>
    %add3A_234 = arith.addf %mul3A_232, %mul3A_233 : vector<256x2048xf32>
    %mul3A_235 = arith.mulf %sub3A_231, %sub3A_231 : vector<256x2048xf32>
    %add3A_236 = arith.addf %add3A_234, %mul3A_235 : vector<256x2048xf32>
    %iota3A = tpu.iota {dimensions = array<i32: 1>} : vector<256x2048xi32>
    %bitcast_convert_type3A = tpu.bitcast %add3A_236 : vector<256x2048xf32> -> vector<256x2048xi32>
    %and3A_237 = arith.constant -2048 : i32
    %and3A_238 = vector.broadcast %and3A_237 : i32 to vector<256x2048xi32>
    %and3A_239 = arith.andi %bitcast_convert_type3A, %and3A_238 : vector<256x2048xi32>
    %or3A = arith.ori %and3A_239, %iota3A : vector<256x2048xi32>
    %reduce_min3A = arith.constant dense<2147483647> : vector<256xi32>
    %reduce_min3A_240 = vector.multi_reduction <minsi>, %or3A, %reduce_min3A [1] : vector<256x2048xi32> to vector<256xi32>
    %broadcast_in_dim3A_241 = vector.shape_cast %reduce_min3A_240 : vector<256xi32> to vector<256x1xi32>
    %and3A_242 = arith.constant 2047 : i32
    %and3A_243 = vector.broadcast %and3A_242 : i32 to vector<256x1xi32>
    %and3A_244 = arith.andi %broadcast_in_dim3A_241, %and3A_243 : vector<256x1xi32>
    %eq3A = vector.broadcast %and3A_244 : vector<256x1xi32> to vector<256x2048xi32>
    %eq3A_245 = arith.cmpi eq, %iota3A, %eq3A : vector<256x2048xi32>
    %jit3A_246 = arith.constant 0.000000e+00 : f32
    %broadcast_in_dim3A_247 = vector.broadcast %jit3A_246 : f32 to vector<256x2048xf32>
    %select_n3A_248 = arith.select %eq3A_245, %add3A_205, %broadcast_in_dim3A_247 : vector<256x2048xi1>, vector<256x2048xf32>
    %reduce_sum3A = arith.constant dense<0.000000e+00> : vector<256xf32>
    %reduce_sum3A_249 = vector.multi_reduction <add>, %select_n3A_248, %reduce_sum3A [1] : vector<256x2048xf32> to vector<256xf32>
    %broadcast_in_dim3A_250 = vector.shape_cast %reduce_sum3A_249 : vector<256xf32> to vector<256x1xf32>
    %jit3A_251 = arith.constant 0.000000e+00 : f32
    %broadcast_in_dim3A_252 = vector.broadcast %jit3A_251 : f32 to vector<256x2048xf32>
    %select_n3A_253 = arith.select %eq3A_245, %add3A_215, %broadcast_in_dim3A_252 : vector<256x2048xi1>, vector<256x2048xf32>
    %reduce_sum3A_254 = arith.constant dense<0.000000e+00> : vector<256xf32>
    %reduce_sum3A_255 = vector.multi_reduction <add>, %select_n3A_253, %reduce_sum3A_254 [1] : vector<256x2048xf32> to vector<256xf32>
    %broadcast_in_dim3A_256 = vector.shape_cast %reduce_sum3A_255 : vector<256xf32> to vector<256x1xf32>
    %jit3A_257 = arith.constant 0.000000e+00 : f32
    %broadcast_in_dim3A_258 = vector.broadcast %jit3A_257 : f32 to vector<256x2048xf32>
    %select_n3A_259 = arith.select %eq3A_245, %add3A_225, %broadcast_in_dim3A_258 : vector<256x2048xi1>, vector<256x2048xf32>
    %reduce_sum3A_260 = arith.constant dense<0.000000e+00> : vector<256xf32>
    %reduce_sum3A_261 = vector.multi_reduction <add>, %select_n3A_259, %reduce_sum3A_260 [1] : vector<256x2048xf32> to vector<256xf32>
    %broadcast_in_dim3A_262 = vector.shape_cast %reduce_sum3A_261 : vector<256xf32> to vector<256x1xf32>
    %sub3A_263 = arith.subf %slice3A, %broadcast_in_dim3A_250 : vector<256x1xf32>
    %sub3A_264 = arith.subf %slice3A_2, %broadcast_in_dim3A_256 : vector<256x1xf32>
    %sub3A_265 = arith.subf %slice3A_3, %broadcast_in_dim3A_262 : vector<256x1xf32>
    %add3A_266 = arith.constant 1.000000e-10 : f32
    %add3A_267 = vector.broadcast %add3A_266 : f32 to vector<256x1xf32>
    %add3A_268 = arith.addf %sub3A_263, %add3A_267 : vector<256x1xf32>
    %add3A_269 = arith.constant 1.000000e-10 : f32
    %add3A_270 = vector.broadcast %add3A_269 : f32 to vector<256x1xf32>
    %add3A_271 = arith.addf %sub3A_264, %add3A_270 : vector<256x1xf32>
    %add3A_272 = arith.constant 1.000000e-10 : f32
    %add3A_273 = vector.broadcast %add3A_272 : f32 to vector<256x1xf32>
    %add3A_274 = arith.addf %sub3A_265, %add3A_273 : vector<256x1xf32>
    %mul3A_275 = arith.mulf %add3A_268, %add3A_268 : vector<256x1xf32>
    %mul3A_276 = arith.mulf %add3A_271, %add3A_271 : vector<256x1xf32>
    %add3A_277 = arith.addf %mul3A_275, %mul3A_276 : vector<256x1xf32>
    %mul3A_278 = arith.mulf %add3A_274, %add3A_274 : vector<256x1xf32>
    %add3A_279 = arith.addf %add3A_277, %mul3A_278 : vector<256x1xf32>
    %sqrt3A = math.sqrt %add3A_279 : vector<256x1xf32>
    %get3A_280 = arith.constant 0 : index
    %get3A_281 = arith.constant 0 : index
    %get3A_282 = vector.load %arg3[%get3A_280, %get3A_281] : memref<8x4096xf32, #tpu.memory_space<vmem>>, vector<1x4096xf32>
    %sub3A_283 = vector.broadcast %slice3A : vector<256x1xf32> to vector<256x4096xf32>
    %sub3A_284 = vector.broadcast %get3A_282 : vector<1x4096xf32> to vector<256x4096xf32>
    %sub3A_285 = arith.subf %sub3A_283, %sub3A_284 : vector<256x4096xf32>
    %get3A_286 = arith.constant 1 : index
    %get3A_287 = arith.constant 0 : index
    %get3A_288 = vector.load %arg3[%get3A_286, %get3A_287] : memref<8x4096xf32, #tpu.memory_space<vmem>>, vector<1x4096xf32>
    %sub3A_289 = vector.broadcast %slice3A_2 : vector<256x1xf32> to vector<256x4096xf32>
    %sub3A_290 = vector.broadcast %get3A_288 : vector<1x4096xf32> to vector<256x4096xf32>
    %sub3A_291 = arith.subf %sub3A_289, %sub3A_290 : vector<256x4096xf32>
    %get3A_292 = arith.constant 2 : index
    %get3A_293 = arith.constant 0 : index
    %get3A_294 = vector.load %arg3[%get3A_292, %get3A_293] : memref<8x4096xf32, #tpu.memory_space<vmem>>, vector<1x4096xf32>
    %sub3A_295 = vector.broadcast %slice3A_3 : vector<256x1xf32> to vector<256x4096xf32>
    %sub3A_296 = vector.broadcast %get3A_294 : vector<1x4096xf32> to vector<256x4096xf32>
    %sub3A_297 = arith.subf %sub3A_295, %sub3A_296 : vector<256x4096xf32>
    %mul3A_298 = arith.mulf %sub3A_285, %sub3A_285 : vector<256x4096xf32>
    %mul3A_299 = arith.mulf %sub3A_291, %sub3A_291 : vector<256x4096xf32>
    %add3A_300 = arith.addf %mul3A_298, %mul3A_299 : vector<256x4096xf32>
    %mul3A_301 = arith.mulf %sub3A_297, %sub3A_297 : vector<256x4096xf32>
    %add3A_302 = arith.addf %add3A_300, %mul3A_301 : vector<256x4096xf32>
    %iota3A_303 = tpu.iota {dimensions = array<i32: 1>} : vector<256x4096xi32>
    %bitcast_convert_type3A_304 = tpu.bitcast %add3A_302 : vector<256x4096xf32> -> vector<256x4096xi32>
    %and3A_305 = arith.constant -4096 : i32
    %and3A_306 = vector.broadcast %and3A_305 : i32 to vector<256x4096xi32>
    %and3A_307 = arith.andi %bitcast_convert_type3A_304, %and3A_306 : vector<256x4096xi32>
    %or3A_308 = arith.ori %and3A_307, %iota3A_303 : vector<256x4096xi32>
    %slice3A_309 = vector.extract_strided_slice %or3A_308 {offsets = [0, 0], sizes = [256, 512], strides = [1, 1]} : vector<256x4096xi32> to vector<256x512xi32>
    %slice3A_310 = vector.extract_strided_slice %or3A_308 {offsets = [0, 512], sizes = [256, 512], strides = [1, 1]} : vector<256x4096xi32> to vector<256x512xi32>
    %slice3A_311 = vector.extract_strided_slice %or3A_308 {offsets = [0, 1024], sizes = [256, 512], strides = [1, 1]} : vector<256x4096xi32> to vector<256x512xi32>
    %slice3A_312 = vector.extract_strided_slice %or3A_308 {offsets = [0, 1536], sizes = [256, 512], strides = [1, 1]} : vector<256x4096xi32> to vector<256x512xi32>
    %slice3A_313 = vector.extract_strided_slice %or3A_308 {offsets = [0, 2048], sizes = [256, 512], strides = [1, 1]} : vector<256x4096xi32> to vector<256x512xi32>
    %slice3A_314 = vector.extract_strided_slice %or3A_308 {offsets = [0, 2560], sizes = [256, 512], strides = [1, 1]} : vector<256x4096xi32> to vector<256x512xi32>
    %slice3A_315 = vector.extract_strided_slice %or3A_308 {offsets = [0, 3072], sizes = [256, 512], strides = [1, 1]} : vector<256x4096xi32> to vector<256x512xi32>
    %slice3A_316 = vector.extract_strided_slice %or3A_308 {offsets = [0, 3584], sizes = [256, 512], strides = [1, 1]} : vector<256x4096xi32> to vector<256x512xi32>
    %min3A = arith.minsi %slice3A_309, %slice3A_310 : vector<256x512xi32>
    %min3A_317 = arith.minsi %slice3A_311, %slice3A_312 : vector<256x512xi32>
    %min3A_318 = arith.minsi %slice3A_313, %slice3A_314 : vector<256x512xi32>
    %min3A_319 = arith.minsi %slice3A_315, %slice3A_316 : vector<256x512xi32>
    %min3A_320 = arith.minsi %min3A, %min3A_317 : vector<256x512xi32>
    %min3A_321 = arith.minsi %min3A_318, %min3A_319 : vector<256x512xi32>
    %min3A_322 = arith.minsi %min3A_320, %min3A_321 : vector<256x512xi32>
    %iota3A_323 = tpu.iota {dimensions = array<i32: 1>} : vector<256x24xi32>
    %jit3A_324 = arith.constant 3 : i32
    %div3A_325 = vector.broadcast %jit3A_324 : i32 to vector<256x24xi32>
    %div3A_326 = arith.divsi %iota3A_323, %div3A_325 : vector<256x24xi32>
    %sign3A = arith.constant 0 : i32
    %sign3A_327 = vector.broadcast %sign3A : i32 to vector<256x24xi32>
    %sign3A_328 = arith.cmpi sgt, %iota3A_323, %sign3A_327 : vector<256x24xi32>
    %sign3A_329 = arith.extui %sign3A_328 : vector<256x24xi1> to vector<256x24xi32>
    %sign3A_330 = arith.constant 0 : i32
    %sign3A_331 = vector.broadcast %sign3A_330 : i32 to vector<256x24xi32>
    %sign3A_332 = arith.cmpi slt, %iota3A_323, %sign3A_331 : vector<256x24xi32>
    %sign3A_333 = arith.extui %sign3A_332 : vector<256x24xi1> to vector<256x24xi32>
    %sign3A_334 = arith.subi %sign3A_329, %sign3A_333 : vector<256x24xi32>
    %sign3A_335 = arith.constant 0 : i32
    %sign3A_336 = arith.cmpi sgt, %jit3A_324, %sign3A_335 : i32
    %sign3A_337 = arith.extui %sign3A_336 : i1 to i32
    %sign3A_338 = arith.constant 0 : i32
    %sign3A_339 = arith.cmpi slt, %jit3A_324, %sign3A_338 : i32
    %sign3A_340 = arith.extui %sign3A_339 : i1 to i32
    %sign3A_341 = arith.subi %sign3A_337, %sign3A_340 : i32
    %ne3A = vector.broadcast %sign3A_341 : i32 to vector<256x24xi32>
    %ne3A_342 = arith.cmpi ne, %sign3A_334, %ne3A : vector<256x24xi32>
    %rem3A = vector.broadcast %jit3A_324 : i32 to vector<256x24xi32>
    %rem3A_343 = arith.remsi %iota3A_323, %rem3A : vector<256x24xi32>
    %ne3A_344 = arith.constant 0 : i32
    %ne3A_345 = vector.broadcast %ne3A_344 : i32 to vector<256x24xi32>
    %ne3A_346 = arith.cmpi ne, %rem3A_343, %ne3A_345 : vector<256x24xi32>
    %and3A_347 = arith.andi %ne3A_342, %ne3A_346 : vector<256x24xi1>
    %sub3A_348 = arith.constant 1 : i32
    %sub3A_349 = vector.broadcast %sub3A_348 : i32 to vector<256x24xi32>
    %sub3A_350 = arith.subi %div3A_326, %sub3A_349 : vector<256x24xi32>
    %select_n3A_351 = arith.select %and3A_347, %sub3A_350, %div3A_326 : vector<256x24xi1>, vector<256x24xi32>
    %iota3A_352 = tpu.iota {dimensions = array<i32: 1>} : vector<256x512xi32>
    %broadcast_in_dim3A_353 = arith.constant 0.000000e+00 : f32
    %broadcast_in_dim3A_354 = vector.broadcast %broadcast_in_dim3A_353 : f32 to vector<256x24xf32>
    %broadcast_in_dim3A_355 = arith.constant 0.000000e+00 : f32
    %broadcast_in_dim3A_356 = vector.broadcast %broadcast_in_dim3A_355 : f32 to vector<256x1xf32>
    %reduce_min3A_357 = arith.constant dense<2147483647> : vector<256xi32>
    %reduce_min3A_358 = vector.multi_reduction <minsi>, %min3A_322, %reduce_min3A_357 [1] : vector<256x512xi32> to vector<256xi32>
    %broadcast_in_dim3A_359 = vector.shape_cast %reduce_min3A_358 : vector<256xi32> to vector<256x1xi32>
    %and3A_360 = arith.constant 511 : i32
    %and3A_361 = vector.broadcast %and3A_360 : i32 to vector<256x1xi32>
    %and3A_362 = arith.andi %broadcast_in_dim3A_359, %and3A_361 : vector<256x1xi32>
    %eq3A_363 = vector.broadcast %and3A_362 : vector<256x1xi32> to vector<256x512xi32>
    %eq3A_364 = arith.cmpi eq, %iota3A_352, %eq3A_363 : vector<256x512xi32>
    %convert_element_type3A = arith.extui %eq3A_364 : vector<256x512xi1> to vector<256x512xi32>
    %convert_element_type3A_365 = arith.sitofp %convert_element_type3A : vector<256x512xi32> to vector<256x512xf32>
    %convert_element_type3A_366 = arith.truncf %convert_element_type3A_365 : vector<256x512xf32> to vector<256x512xbf16>
    %get3A_367 = arith.constant 0 : index
    %get3A_368 = arith.constant 0 : index
    %get3A_369 = vector.load %arg4[%get3A_367, %get3A_368] : memref<512x48xbf16, #tpu.memory_space<vmem>>, vector<512x48xbf16>
    %dot_general3A = arith.constant dense<0.000000e+00> : vector<256x48xf32>
    %dot_general3A_370 = tpu.matmul %convert_element_type3A_366, %get3A_369, %dot_general3A {dimension_numbers = #tpu.dot_dimension_numbers<[1], [0], [0], [1], [0, 0, 1, 1], [], []>, transpose_lhs_hint = false} : vector<256x512xbf16>, vector<512x48xbf16>, vector<256x48xf32> -> vector<256x48xf32>
    %slice3A_371 = vector.extract_strided_slice %dot_general3A_370 {offsets = [0, 0], sizes = [256, 24], strides = [1, 1]} : vector<256x48xf32> to vector<256x24xf32>
    %slice3A_372 = vector.extract_strided_slice %dot_general3A_370 {offsets = [0, 24], sizes = [256, 24], strides = [1, 1]} : vector<256x48xf32> to vector<256x24xf32>
    %add3A_373 = arith.addf %slice3A_371, %slice3A_372 : vector<256x24xf32>
    %and3A_374 = arith.constant -4096 : i32
    %and3A_375 = vector.broadcast %and3A_374 : i32 to vector<256x1xi32>
    %and3A_376 = arith.andi %broadcast_in_dim3A_359, %and3A_375 : vector<256x1xi32>
    %bitcast_convert_type3A_377 = tpu.bitcast %and3A_376 : vector<256x1xi32> -> vector<256x1xf32>
    %add3A_378 = arith.constant 9.99999993E-9 : f32
    %add3A_379 = vector.broadcast %add3A_378 : f32 to vector<256x1xf32>
    %add3A_380 = arith.addf %bitcast_convert_type3A_377, %add3A_379 : vector<256x1xf32>
    %div3A_381 = arith.constant 1.000000e+00 : f32
    %div3A_382 = vector.broadcast %div3A_381 : f32 to vector<256x1xf32>
    %div3A_383 = arith.divf %div3A_382, %add3A_380 : vector<256x1xf32>
    %add3A_384 = arith.addf %broadcast_in_dim3A_356, %div3A_383 : vector<256x1xf32>
    %and3A_385 = arith.constant 4095 : i32
    %and3A_386 = vector.broadcast %and3A_385 : i32 to vector<256x1xi32>
    %and3A_387 = arith.andi %broadcast_in_dim3A_359, %and3A_386 : vector<256x1xi32>
    %shift_right_arithmetic3A = arith.constant 9 : i32
    %shift_right_arithmetic3A_388 = vector.broadcast %shift_right_arithmetic3A : i32 to vector<256x1xi32>
    %shift_right_arithmetic3A_389 = arith.shrsi %and3A_387, %shift_right_arithmetic3A_388 : vector<256x1xi32>
    %eq3A_390 = vector.broadcast %shift_right_arithmetic3A_389 : vector<256x1xi32> to vector<256x24xi32>
    %eq3A_391 = arith.cmpi eq, %select_n3A_351, %eq3A_390 : vector<256x24xi32>
    %mul3A_392 = vector.broadcast %div3A_383 : vector<256x1xf32> to vector<256x24xf32>
    %mul3A_393 = arith.mulf %add3A_373, %mul3A_392 : vector<256x24xf32>
    %jit3A_394 = arith.constant 0.000000e+00 : f32
    %broadcast_in_dim3A_395 = vector.broadcast %jit3A_394 : f32 to vector<256x24xf32>
    %select_n3A_396 = arith.select %eq3A_391, %mul3A_393, %broadcast_in_dim3A_395 : vector<256x24xi1>, vector<256x24xf32>
    %add3A_397 = arith.addf %broadcast_in_dim3A_354, %select_n3A_396 : vector<256x24xf32>
    %jit3A_398 = arith.constant 2147483647 : i32
    %broadcast_in_dim3A_399 = vector.broadcast %jit3A_398 : i32 to vector<256x512xi32>
    %select_n3A_400 = arith.select %eq3A_364, %broadcast_in_dim3A_399, %min3A_322 : vector<256x512xi1>, vector<256x512xi32>
    %reduce_min3A_401 = arith.constant dense<2147483647> : vector<256xi32>
    %reduce_min3A_402 = vector.multi_reduction <minsi>, %select_n3A_400, %reduce_min3A_401 [1] : vector<256x512xi32> to vector<256xi32>
    %broadcast_in_dim3A_403 = vector.shape_cast %reduce_min3A_402 : vector<256xi32> to vector<256x1xi32>
    %and3A_404 = arith.constant 511 : i32
    %and3A_405 = vector.broadcast %and3A_404 : i32 to vector<256x1xi32>
    %and3A_406 = arith.andi %broadcast_in_dim3A_403, %and3A_405 : vector<256x1xi32>
    %eq3A_407 = vector.broadcast %and3A_406 : vector<256x1xi32> to vector<256x512xi32>
    %eq3A_408 = arith.cmpi eq, %iota3A_352, %eq3A_407 : vector<256x512xi32>
    %convert_element_type3A_409 = arith.extui %eq3A_408 : vector<256x512xi1> to vector<256x512xi32>
    %convert_element_type3A_410 = arith.sitofp %convert_element_type3A_409 : vector<256x512xi32> to vector<256x512xf32>
    %convert_element_type3A_411 = arith.truncf %convert_element_type3A_410 : vector<256x512xf32> to vector<256x512xbf16>
    %get3A_412 = arith.constant 0 : index
    %get3A_413 = arith.constant 0 : index
    %get3A_414 = vector.load %arg4[%get3A_412, %get3A_413] : memref<512x48xbf16, #tpu.memory_space<vmem>>, vector<512x48xbf16>
    %dot_general3A_415 = arith.constant dense<0.000000e+00> : vector<256x48xf32>
    %dot_general3A_416 = tpu.matmul %convert_element_type3A_411, %get3A_414, %dot_general3A_415 {dimension_numbers = #tpu.dot_dimension_numbers<[1], [0], [0], [1], [0, 0, 1, 1], [], []>, transpose_lhs_hint = false} : vector<256x512xbf16>, vector<512x48xbf16>, vector<256x48xf32> -> vector<256x48xf32>
    %slice3A_417 = vector.extract_strided_slice %dot_general3A_416 {offsets = [0, 0], sizes = [256, 24], strides = [1, 1]} : vector<256x48xf32> to vector<256x24xf32>
    %slice3A_418 = vector.extract_strided_slice %dot_general3A_416 {offsets = [0, 24], sizes = [256, 24], strides = [1, 1]} : vector<256x48xf32> to vector<256x24xf32>
    %add3A_419 = arith.addf %slice3A_417, %slice3A_418 : vector<256x24xf32>
    %and3A_420 = arith.constant -4096 : i32
    %and3A_421 = vector.broadcast %and3A_420 : i32 to vector<256x1xi32>
    %and3A_422 = arith.andi %broadcast_in_dim3A_403, %and3A_421 : vector<256x1xi32>
    %bitcast_convert_type3A_423 = tpu.bitcast %and3A_422 : vector<256x1xi32> -> vector<256x1xf32>
    %add3A_424 = arith.constant 9.99999993E-9 : f32
    %add3A_425 = vector.broadcast %add3A_424 : f32 to vector<256x1xf32>
    %add3A_426 = arith.addf %bitcast_convert_type3A_423, %add3A_425 : vector<256x1xf32>
    %div3A_427 = arith.constant 1.000000e+00 : f32
    %div3A_428 = vector.broadcast %div3A_427 : f32 to vector<256x1xf32>
    %div3A_429 = arith.divf %div3A_428, %add3A_426 : vector<256x1xf32>
    %add3A_430 = arith.addf %add3A_384, %div3A_429 : vector<256x1xf32>
    %and3A_431 = arith.constant 4095 : i32
    %and3A_432 = vector.broadcast %and3A_431 : i32 to vector<256x1xi32>
    %and3A_433 = arith.andi %broadcast_in_dim3A_403, %and3A_432 : vector<256x1xi32>
    %shift_right_arithmetic3A_434 = arith.constant 9 : i32
    %shift_right_arithmetic3A_435 = vector.broadcast %shift_right_arithmetic3A_434 : i32 to vector<256x1xi32>
    %shift_right_arithmetic3A_436 = arith.shrsi %and3A_433, %shift_right_arithmetic3A_435 : vector<256x1xi32>
    %eq3A_437 = vector.broadcast %shift_right_arithmetic3A_436 : vector<256x1xi32> to vector<256x24xi32>
    %eq3A_438 = arith.cmpi eq, %select_n3A_351, %eq3A_437 : vector<256x24xi32>
    %mul3A_439 = vector.broadcast %div3A_429 : vector<256x1xf32> to vector<256x24xf32>
    %mul3A_440 = arith.mulf %add3A_419, %mul3A_439 : vector<256x24xf32>
    %jit3A_441 = arith.constant 0.000000e+00 : f32
    %broadcast_in_dim3A_442 = vector.broadcast %jit3A_441 : f32 to vector<256x24xf32>
    %select_n3A_443 = arith.select %eq3A_438, %mul3A_440, %broadcast_in_dim3A_442 : vector<256x24xi1>, vector<256x24xf32>
    %add3A_444 = arith.addf %add3A_397, %select_n3A_443 : vector<256x24xf32>
    %jit3A_445 = arith.constant 2147483647 : i32
    %broadcast_in_dim3A_446 = vector.broadcast %jit3A_445 : i32 to vector<256x512xi32>
    %select_n3A_447 = arith.select %eq3A_408, %broadcast_in_dim3A_446, %select_n3A_400 : vector<256x512xi1>, vector<256x512xi32>
    %reduce_min3A_448 = arith.constant dense<2147483647> : vector<256xi32>
    %reduce_min3A_449 = vector.multi_reduction <minsi>, %select_n3A_447, %reduce_min3A_448 [1] : vector<256x512xi32> to vector<256xi32>
    %broadcast_in_dim3A_450 = vector.shape_cast %reduce_min3A_449 : vector<256xi32> to vector<256x1xi32>
    %and3A_451 = arith.constant 511 : i32
    %and3A_452 = vector.broadcast %and3A_451 : i32 to vector<256x1xi32>
    %and3A_453 = arith.andi %broadcast_in_dim3A_450, %and3A_452 : vector<256x1xi32>
    %eq3A_454 = vector.broadcast %and3A_453 : vector<256x1xi32> to vector<256x512xi32>
    %eq3A_455 = arith.cmpi eq, %iota3A_352, %eq3A_454 : vector<256x512xi32>
    %convert_element_type3A_456 = arith.extui %eq3A_455 : vector<256x512xi1> to vector<256x512xi32>
    %convert_element_type3A_457 = arith.sitofp %convert_element_type3A_456 : vector<256x512xi32> to vector<256x512xf32>
    %convert_element_type3A_458 = arith.truncf %convert_element_type3A_457 : vector<256x512xf32> to vector<256x512xbf16>
    %get3A_459 = arith.constant 0 : index
    %get3A_460 = arith.constant 0 : index
    %get3A_461 = vector.load %arg4[%get3A_459, %get3A_460] : memref<512x48xbf16, #tpu.memory_space<vmem>>, vector<512x48xbf16>
    %dot_general3A_462 = arith.constant dense<0.000000e+00> : vector<256x48xf32>
    %dot_general3A_463 = tpu.matmul %convert_element_type3A_458, %get3A_461, %dot_general3A_462 {dimension_numbers = #tpu.dot_dimension_numbers<[1], [0], [0], [1], [0, 0, 1, 1], [], []>, transpose_lhs_hint = false} : vector<256x512xbf16>, vector<512x48xbf16>, vector<256x48xf32> -> vector<256x48xf32>
    %slice3A_464 = vector.extract_strided_slice %dot_general3A_463 {offsets = [0, 0], sizes = [256, 24], strides = [1, 1]} : vector<256x48xf32> to vector<256x24xf32>
    %slice3A_465 = vector.extract_strided_slice %dot_general3A_463 {offsets = [0, 24], sizes = [256, 24], strides = [1, 1]} : vector<256x48xf32> to vector<256x24xf32>
    %add3A_466 = arith.addf %slice3A_464, %slice3A_465 : vector<256x24xf32>
    %and3A_467 = arith.constant -4096 : i32
    %and3A_468 = vector.broadcast %and3A_467 : i32 to vector<256x1xi32>
    %and3A_469 = arith.andi %broadcast_in_dim3A_450, %and3A_468 : vector<256x1xi32>
    %bitcast_convert_type3A_470 = tpu.bitcast %and3A_469 : vector<256x1xi32> -> vector<256x1xf32>
    %add3A_471 = arith.constant 9.99999993E-9 : f32
    %add3A_472 = vector.broadcast %add3A_471 : f32 to vector<256x1xf32>
    %add3A_473 = arith.addf %bitcast_convert_type3A_470, %add3A_472 : vector<256x1xf32>
    %div3A_474 = arith.constant 1.000000e+00 : f32
    %div3A_475 = vector.broadcast %div3A_474 : f32 to vector<256x1xf32>
    %div3A_476 = arith.divf %div3A_475, %add3A_473 : vector<256x1xf32>
    %add3A_477 = arith.addf %add3A_430, %div3A_476 : vector<256x1xf32>
    %and3A_478 = arith.constant 4095 : i32
    %and3A_479 = vector.broadcast %and3A_478 : i32 to vector<256x1xi32>
    %and3A_480 = arith.andi %broadcast_in_dim3A_450, %and3A_479 : vector<256x1xi32>
    %shift_right_arithmetic3A_481 = arith.constant 9 : i32
    %shift_right_arithmetic3A_482 = vector.broadcast %shift_right_arithmetic3A_481 : i32 to vector<256x1xi32>
    %shift_right_arithmetic3A_483 = arith.shrsi %and3A_480, %shift_right_arithmetic3A_482 : vector<256x1xi32>
    %eq3A_484 = vector.broadcast %shift_right_arithmetic3A_483 : vector<256x1xi32> to vector<256x24xi32>
    %eq3A_485 = arith.cmpi eq, %select_n3A_351, %eq3A_484 : vector<256x24xi32>
    %mul3A_486 = vector.broadcast %div3A_476 : vector<256x1xf32> to vector<256x24xf32>
    %mul3A_487 = arith.mulf %add3A_466, %mul3A_486 : vector<256x24xf32>
    %jit3A_488 = arith.constant 0.000000e+00 : f32
    %broadcast_in_dim3A_489 = vector.broadcast %jit3A_488 : f32 to vector<256x24xf32>
    %select_n3A_490 = arith.select %eq3A_485, %mul3A_487, %broadcast_in_dim3A_489 : vector<256x24xi1>, vector<256x24xf32>
    %add3A_491 = arith.addf %add3A_444, %select_n3A_490 : vector<256x24xf32>
    %jit3A_492 = arith.constant 2147483647 : i32
    %broadcast_in_dim3A_493 = vector.broadcast %jit3A_492 : i32 to vector<256x512xi32>
    %select_n3A_494 = arith.select %eq3A_455, %broadcast_in_dim3A_493, %select_n3A_447 : vector<256x512xi1>, vector<256x512xi32>
    %reduce_min3A_495 = arith.constant dense<2147483647> : vector<256xi32>
    %reduce_min3A_496 = vector.multi_reduction <minsi>, %select_n3A_494, %reduce_min3A_495 [1] : vector<256x512xi32> to vector<256xi32>
    %broadcast_in_dim3A_497 = vector.shape_cast %reduce_min3A_496 : vector<256xi32> to vector<256x1xi32>
    %and3A_498 = arith.constant 511 : i32
    %and3A_499 = vector.broadcast %and3A_498 : i32 to vector<256x1xi32>
    %and3A_500 = arith.andi %broadcast_in_dim3A_497, %and3A_499 : vector<256x1xi32>
    %eq3A_501 = vector.broadcast %and3A_500 : vector<256x1xi32> to vector<256x512xi32>
    %eq3A_502 = arith.cmpi eq, %iota3A_352, %eq3A_501 : vector<256x512xi32>
    %convert_element_type3A_503 = arith.extui %eq3A_502 : vector<256x512xi1> to vector<256x512xi32>
    %convert_element_type3A_504 = arith.sitofp %convert_element_type3A_503 : vector<256x512xi32> to vector<256x512xf32>
    %convert_element_type3A_505 = arith.truncf %convert_element_type3A_504 : vector<256x512xf32> to vector<256x512xbf16>
    %get3A_506 = arith.constant 0 : index
    %get3A_507 = arith.constant 0 : index
    %get3A_508 = vector.load %arg4[%get3A_506, %get3A_507] : memref<512x48xbf16, #tpu.memory_space<vmem>>, vector<512x48xbf16>
    %dot_general3A_509 = arith.constant dense<0.000000e+00> : vector<256x48xf32>
    %dot_general3A_510 = tpu.matmul %convert_element_type3A_505, %get3A_508, %dot_general3A_509 {dimension_numbers = #tpu.dot_dimension_numbers<[1], [0], [0], [1], [0, 0, 1, 1], [], []>, transpose_lhs_hint = false} : vector<256x512xbf16>, vector<512x48xbf16>, vector<256x48xf32> -> vector<256x48xf32>
    %slice3A_511 = vector.extract_strided_slice %dot_general3A_510 {offsets = [0, 0], sizes = [256, 24], strides = [1, 1]} : vector<256x48xf32> to vector<256x24xf32>
    %slice3A_512 = vector.extract_strided_slice %dot_general3A_510 {offsets = [0, 24], sizes = [256, 24], strides = [1, 1]} : vector<256x48xf32> to vector<256x24xf32>
    %add3A_513 = arith.addf %slice3A_511, %slice3A_512 : vector<256x24xf32>
    %and3A_514 = arith.constant -4096 : i32
    %and3A_515 = vector.broadcast %and3A_514 : i32 to vector<256x1xi32>
    %and3A_516 = arith.andi %broadcast_in_dim3A_497, %and3A_515 : vector<256x1xi32>
    %bitcast_convert_type3A_517 = tpu.bitcast %and3A_516 : vector<256x1xi32> -> vector<256x1xf32>
    %add3A_518 = arith.constant 9.99999993E-9 : f32
    %add3A_519 = vector.broadcast %add3A_518 : f32 to vector<256x1xf32>
    %add3A_520 = arith.addf %bitcast_convert_type3A_517, %add3A_519 : vector<256x1xf32>
    %div3A_521 = arith.constant 1.000000e+00 : f32
    %div3A_522 = vector.broadcast %div3A_521 : f32 to vector<256x1xf32>
    %div3A_523 = arith.divf %div3A_522, %add3A_520 : vector<256x1xf32>
    %add3A_524 = arith.addf %add3A_477, %div3A_523 : vector<256x1xf32>
    %and3A_525 = arith.constant 4095 : i32
    %and3A_526 = vector.broadcast %and3A_525 : i32 to vector<256x1xi32>
    %and3A_527 = arith.andi %broadcast_in_dim3A_497, %and3A_526 : vector<256x1xi32>
    %shift_right_arithmetic3A_528 = arith.constant 9 : i32
    %shift_right_arithmetic3A_529 = vector.broadcast %shift_right_arithmetic3A_528 : i32 to vector<256x1xi32>
    %shift_right_arithmetic3A_530 = arith.shrsi %and3A_527, %shift_right_arithmetic3A_529 : vector<256x1xi32>
    %eq3A_531 = vector.broadcast %shift_right_arithmetic3A_530 : vector<256x1xi32> to vector<256x24xi32>
    %eq3A_532 = arith.cmpi eq, %select_n3A_351, %eq3A_531 : vector<256x24xi32>
    %mul3A_533 = vector.broadcast %div3A_523 : vector<256x1xf32> to vector<256x24xf32>
    %mul3A_534 = arith.mulf %add3A_513, %mul3A_533 : vector<256x24xf32>
    %jit3A_535 = arith.constant 0.000000e+00 : f32
    %broadcast_in_dim3A_536 = vector.broadcast %jit3A_535 : f32 to vector<256x24xf32>
    %select_n3A_537 = arith.select %eq3A_532, %mul3A_534, %broadcast_in_dim3A_536 : vector<256x24xi1>, vector<256x24xf32>
    %add3A_538 = arith.addf %add3A_491, %select_n3A_537 : vector<256x24xf32>
    %jit3A_539 = arith.constant 2147483647 : i32
    %broadcast_in_dim3A_540 = vector.broadcast %jit3A_539 : i32 to vector<256x512xi32>
    %select_n3A_541 = arith.select %eq3A_502, %broadcast_in_dim3A_540, %select_n3A_494 : vector<256x512xi1>, vector<256x512xi32>
    %reduce_min3A_542 = arith.constant dense<2147483647> : vector<256xi32>
    %reduce_min3A_543 = vector.multi_reduction <minsi>, %select_n3A_541, %reduce_min3A_542 [1] : vector<256x512xi32> to vector<256xi32>
    %broadcast_in_dim3A_544 = vector.shape_cast %reduce_min3A_543 : vector<256xi32> to vector<256x1xi32>
    %and3A_545 = arith.constant 511 : i32
    %and3A_546 = vector.broadcast %and3A_545 : i32 to vector<256x1xi32>
    %and3A_547 = arith.andi %broadcast_in_dim3A_544, %and3A_546 : vector<256x1xi32>
    %eq3A_548 = vector.broadcast %and3A_547 : vector<256x1xi32> to vector<256x512xi32>
    %eq3A_549 = arith.cmpi eq, %iota3A_352, %eq3A_548 : vector<256x512xi32>
    %convert_element_type3A_550 = arith.extui %eq3A_549 : vector<256x512xi1> to vector<256x512xi32>
    %convert_element_type3A_551 = arith.sitofp %convert_element_type3A_550 : vector<256x512xi32> to vector<256x512xf32>
    %convert_element_type3A_552 = arith.truncf %convert_element_type3A_551 : vector<256x512xf32> to vector<256x512xbf16>
    %get3A_553 = arith.constant 0 : index
    %get3A_554 = arith.constant 0 : index
    %get3A_555 = vector.load %arg4[%get3A_553, %get3A_554] : memref<512x48xbf16, #tpu.memory_space<vmem>>, vector<512x48xbf16>
    %dot_general3A_556 = arith.constant dense<0.000000e+00> : vector<256x48xf32>
    %dot_general3A_557 = tpu.matmul %convert_element_type3A_552, %get3A_555, %dot_general3A_556 {dimension_numbers = #tpu.dot_dimension_numbers<[1], [0], [0], [1], [0, 0, 1, 1], [], []>, transpose_lhs_hint = false} : vector<256x512xbf16>, vector<512x48xbf16>, vector<256x48xf32> -> vector<256x48xf32>
    %slice3A_558 = vector.extract_strided_slice %dot_general3A_557 {offsets = [0, 0], sizes = [256, 24], strides = [1, 1]} : vector<256x48xf32> to vector<256x24xf32>
    %slice3A_559 = vector.extract_strided_slice %dot_general3A_557 {offsets = [0, 24], sizes = [256, 24], strides = [1, 1]} : vector<256x48xf32> to vector<256x24xf32>
    %add3A_560 = arith.addf %slice3A_558, %slice3A_559 : vector<256x24xf32>
    %and3A_561 = arith.constant -4096 : i32
    %and3A_562 = vector.broadcast %and3A_561 : i32 to vector<256x1xi32>
    %and3A_563 = arith.andi %broadcast_in_dim3A_544, %and3A_562 : vector<256x1xi32>
    %bitcast_convert_type3A_564 = tpu.bitcast %and3A_563 : vector<256x1xi32> -> vector<256x1xf32>
    %add3A_565 = arith.constant 9.99999993E-9 : f32
    %add3A_566 = vector.broadcast %add3A_565 : f32 to vector<256x1xf32>
    %add3A_567 = arith.addf %bitcast_convert_type3A_564, %add3A_566 : vector<256x1xf32>
    %div3A_568 = arith.constant 1.000000e+00 : f32
    %div3A_569 = vector.broadcast %div3A_568 : f32 to vector<256x1xf32>
    %div3A_570 = arith.divf %div3A_569, %add3A_567 : vector<256x1xf32>
    %add3A_571 = arith.addf %add3A_524, %div3A_570 : vector<256x1xf32>
    %and3A_572 = arith.constant 4095 : i32
    %and3A_573 = vector.broadcast %and3A_572 : i32 to vector<256x1xi32>
    %and3A_574 = arith.andi %broadcast_in_dim3A_544, %and3A_573 : vector<256x1xi32>
    %shift_right_arithmetic3A_575 = arith.constant 9 : i32
    %shift_right_arithmetic3A_576 = vector.broadcast %shift_right_arithmetic3A_575 : i32 to vector<256x1xi32>
    %shift_right_arithmetic3A_577 = arith.shrsi %and3A_574, %shift_right_arithmetic3A_576 : vector<256x1xi32>
    %eq3A_578 = vector.broadcast %shift_right_arithmetic3A_577 : vector<256x1xi32> to vector<256x24xi32>
    %eq3A_579 = arith.cmpi eq, %select_n3A_351, %eq3A_578 : vector<256x24xi32>
    %mul3A_580 = vector.broadcast %div3A_570 : vector<256x1xf32> to vector<256x24xf32>
    %mul3A_581 = arith.mulf %add3A_560, %mul3A_580 : vector<256x24xf32>
    %jit3A_582 = arith.constant 0.000000e+00 : f32
    %broadcast_in_dim3A_583 = vector.broadcast %jit3A_582 : f32 to vector<256x24xf32>
    %select_n3A_584 = arith.select %eq3A_579, %mul3A_581, %broadcast_in_dim3A_583 : vector<256x24xi1>, vector<256x24xf32>
    %add3A_585 = arith.addf %add3A_538, %select_n3A_584 : vector<256x24xf32>
    %slice3A_586 = vector.extract_strided_slice %add3A_585 {offsets = [0, 0], sizes = [256, 1], strides = [1, 1]} : vector<256x24xf32> to vector<256x1xf32>
    %slice3A_587 = vector.extract_strided_slice %add3A_585 {offsets = [0, 3], sizes = [256, 1], strides = [1, 1]} : vector<256x24xf32> to vector<256x1xf32>
    %slice3A_588 = vector.extract_strided_slice %add3A_585 {offsets = [0, 6], sizes = [256, 1], strides = [1, 1]} : vector<256x24xf32> to vector<256x1xf32>
    %slice3A_589 = vector.extract_strided_slice %add3A_585 {offsets = [0, 9], sizes = [256, 1], strides = [1, 1]} : vector<256x24xf32> to vector<256x1xf32>
    %slice3A_590 = vector.extract_strided_slice %add3A_585 {offsets = [0, 12], sizes = [256, 1], strides = [1, 1]} : vector<256x24xf32> to vector<256x1xf32>
    %slice3A_591 = vector.extract_strided_slice %add3A_585 {offsets = [0, 15], sizes = [256, 1], strides = [1, 1]} : vector<256x24xf32> to vector<256x1xf32>
    %slice3A_592 = vector.extract_strided_slice %add3A_585 {offsets = [0, 18], sizes = [256, 1], strides = [1, 1]} : vector<256x24xf32> to vector<256x1xf32>
    %slice3A_593 = vector.extract_strided_slice %add3A_585 {offsets = [0, 21], sizes = [256, 1], strides = [1, 1]} : vector<256x24xf32> to vector<256x1xf32>
    %add3A_594 = arith.addf %slice3A_586, %slice3A_587 : vector<256x1xf32>
    %add3A_595 = arith.addf %slice3A_588, %slice3A_589 : vector<256x1xf32>
    %add3A_596 = arith.addf %slice3A_590, %slice3A_591 : vector<256x1xf32>
    %add3A_597 = arith.addf %slice3A_592, %slice3A_593 : vector<256x1xf32>
    %add3A_598 = arith.addf %add3A_594, %add3A_595 : vector<256x1xf32>
    %add3A_599 = arith.addf %add3A_596, %add3A_597 : vector<256x1xf32>
    %add3A_600 = arith.addf %add3A_598, %add3A_599 : vector<256x1xf32>
    %div3A_601 = arith.divf %add3A_600, %add3A_571 : vector<256x1xf32>
    %slice3A_602 = vector.extract_strided_slice %add3A_585 {offsets = [0, 1], sizes = [256, 1], strides = [1, 1]} : vector<256x24xf32> to vector<256x1xf32>
    %slice3A_603 = vector.extract_strided_slice %add3A_585 {offsets = [0, 4], sizes = [256, 1], strides = [1, 1]} : vector<256x24xf32> to vector<256x1xf32>
    %slice3A_604 = vector.extract_strided_slice %add3A_585 {offsets = [0, 7], sizes = [256, 1], strides = [1, 1]} : vector<256x24xf32> to vector<256x1xf32>
    %slice3A_605 = vector.extract_strided_slice %add3A_585 {offsets = [0, 10], sizes = [256, 1], strides = [1, 1]} : vector<256x24xf32> to vector<256x1xf32>
    %slice3A_606 = vector.extract_strided_slice %add3A_585 {offsets = [0, 13], sizes = [256, 1], strides = [1, 1]} : vector<256x24xf32> to vector<256x1xf32>
    %slice3A_607 = vector.extract_strided_slice %add3A_585 {offsets = [0, 16], sizes = [256, 1], strides = [1, 1]} : vector<256x24xf32> to vector<256x1xf32>
    %slice3A_608 = vector.extract_strided_slice %add3A_585 {offsets = [0, 19], sizes = [256, 1], strides = [1, 1]} : vector<256x24xf32> to vector<256x1xf32>
    %slice3A_609 = vector.extract_strided_slice %add3A_585 {offsets = [0, 22], sizes = [256, 1], strides = [1, 1]} : vector<256x24xf32> to vector<256x1xf32>
    %add3A_610 = arith.addf %slice3A_602, %slice3A_603 : vector<256x1xf32>
    %add3A_611 = arith.addf %slice3A_604, %slice3A_605 : vector<256x1xf32>
    %add3A_612 = arith.addf %slice3A_606, %slice3A_607 : vector<256x1xf32>
    %add3A_613 = arith.addf %slice3A_608, %slice3A_609 : vector<256x1xf32>
    %add3A_614 = arith.addf %add3A_610, %add3A_611 : vector<256x1xf32>
    %add3A_615 = arith.addf %add3A_612, %add3A_613 : vector<256x1xf32>
    %add3A_616 = arith.addf %add3A_614, %add3A_615 : vector<256x1xf32>
    %div3A_617 = arith.divf %add3A_616, %add3A_571 : vector<256x1xf32>
    %slice3A_618 = vector.extract_strided_slice %add3A_585 {offsets = [0, 2], sizes = [256, 1], strides = [1, 1]} : vector<256x24xf32> to vector<256x1xf32>
    %slice3A_619 = vector.extract_strided_slice %add3A_585 {offsets = [0, 5], sizes = [256, 1], strides = [1, 1]} : vector<256x24xf32> to vector<256x1xf32>
    %slice3A_620 = vector.extract_strided_slice %add3A_585 {offsets = [0, 8], sizes = [256, 1], strides = [1, 1]} : vector<256x24xf32> to vector<256x1xf32>
    %slice3A_621 = vector.extract_strided_slice %add3A_585 {offsets = [0, 11], sizes = [256, 1], strides = [1, 1]} : vector<256x24xf32> to vector<256x1xf32>
    %slice3A_622 = vector.extract_strided_slice %add3A_585 {offsets = [0, 14], sizes = [256, 1], strides = [1, 1]} : vector<256x24xf32> to vector<256x1xf32>
    %slice3A_623 = vector.extract_strided_slice %add3A_585 {offsets = [0, 17], sizes = [256, 1], strides = [1, 1]} : vector<256x24xf32> to vector<256x1xf32>
    %slice3A_624 = vector.extract_strided_slice %add3A_585 {offsets = [0, 20], sizes = [256, 1], strides = [1, 1]} : vector<256x24xf32> to vector<256x1xf32>
    %slice3A_625 = vector.extract_strided_slice %add3A_585 {offsets = [0, 23], sizes = [256, 1], strides = [1, 1]} : vector<256x24xf32> to vector<256x1xf32>
    %add3A_626 = arith.addf %slice3A_618, %slice3A_619 : vector<256x1xf32>
    %add3A_627 = arith.addf %slice3A_620, %slice3A_621 : vector<256x1xf32>
    %add3A_628 = arith.addf %slice3A_622, %slice3A_623 : vector<256x1xf32>
    %add3A_629 = arith.addf %slice3A_624, %slice3A_625 : vector<256x1xf32>
    %add3A_630 = arith.addf %add3A_626, %add3A_627 : vector<256x1xf32>
    %add3A_631 = arith.addf %add3A_628, %add3A_629 : vector<256x1xf32>
    %add3A_632 = arith.addf %add3A_630, %add3A_631 : vector<256x1xf32>
    %div3A_633 = arith.divf %add3A_632, %add3A_571 : vector<256x1xf32>
    %sub3A_634 = arith.subf %slice3A, %div3A_601 : vector<256x1xf32>
    %sub3A_635 = arith.subf %slice3A_2, %div3A_617 : vector<256x1xf32>
    %sub3A_636 = arith.subf %slice3A_3, %div3A_633 : vector<256x1xf32>
    %add3A_637 = arith.constant 1.000000e-10 : f32
    %add3A_638 = vector.broadcast %add3A_637 : f32 to vector<256x1xf32>
    %add3A_639 = arith.addf %sub3A_634, %add3A_638 : vector<256x1xf32>
    %add3A_640 = arith.constant 1.000000e-10 : f32
    %add3A_641 = vector.broadcast %add3A_640 : f32 to vector<256x1xf32>
    %add3A_642 = arith.addf %sub3A_635, %add3A_641 : vector<256x1xf32>
    %add3A_643 = arith.constant 1.000000e-10 : f32
    %add3A_644 = vector.broadcast %add3A_643 : f32 to vector<256x1xf32>
    %add3A_645 = arith.addf %sub3A_636, %add3A_644 : vector<256x1xf32>
    %mul3A_646 = arith.mulf %add3A_639, %add3A_639 : vector<256x1xf32>
    %mul3A_647 = arith.mulf %add3A_642, %add3A_642 : vector<256x1xf32>
    %add3A_648 = arith.addf %mul3A_646, %mul3A_647 : vector<256x1xf32>
    %mul3A_649 = arith.mulf %add3A_645, %add3A_645 : vector<256x1xf32>
    %add3A_650 = arith.addf %add3A_648, %mul3A_649 : vector<256x1xf32>
    %sqrt3A_651 = math.sqrt %add3A_650 : vector<256x1xf32>
    %sub3A_652 = arith.subf %sub3A_263, %sub3A_634 : vector<256x1xf32>
    %abs3A = math.absf %sub3A_652 : vector<256x1xf32>
    %sub3A_653 = arith.subf %sub3A_264, %sub3A_635 : vector<256x1xf32>
    %abs3A_654 = math.absf %sub3A_653 : vector<256x1xf32>
    %add3A_655 = arith.addf %abs3A, %abs3A_654 : vector<256x1xf32>
    %sub3A_656 = arith.subf %sub3A_265, %sub3A_636 : vector<256x1xf32>
    %abs3A_657 = math.absf %sub3A_656 : vector<256x1xf32>
    %add3A_658 = arith.addf %add3A_655, %abs3A_657 : vector<256x1xf32>
    %sub3A_659 = arith.subf %sqrt3A, %sqrt3A_651 : vector<256x1xf32>
    %abs3A_660 = math.absf %sub3A_659 : vector<256x1xf32>
    %add3A_661 = arith.addf %add3A_658, %abs3A_660 : vector<256x1xf32>
    %reduce_sum3A_662 = vector.shape_cast %add3A_661 : vector<256x1xf32> to vector<1x256x1xf32>
    %reduce_sum3A_663 = arith.constant dense<0.000000e+00> : vector<1xf32>
    %reduce_sum3A_664 = vector.multi_reduction <add>, %reduce_sum3A_662, %reduce_sum3A_663 [1, 2] : vector<1x256x1xf32> to vector<1xf32>
    %reduce_sum3A_665 = vector.shape_cast %reduce_sum3A_664 : vector<1xf32> to vector<1x1x1xf32>
    %reduce_sum3A_666 = vector.extract %reduce_sum3A_665[0, 0, 0] : f32 from vector<1x1x1xf32>
    %iota3A_667 = tpu.iota {dimensions = array<i32: 0>} : vector<8x128xi32>
    %iota3A_668 = tpu.iota {dimensions = array<i32: 1>} : vector<8x128xi32>
    %eq3A_669 = arith.constant 0 : i32
    %eq3A_670 = vector.broadcast %eq3A_669 : i32 to vector<8x128xi32>
    %eq3A_671 = arith.cmpi eq, %iota3A_667, %eq3A_670 : vector<8x128xi32>
    %eq3A_672 = arith.constant 0 : i32
    %eq3A_673 = vector.broadcast %eq3A_672 : i32 to vector<8x128xi32>
    %eq3A_674 = arith.cmpi eq, %iota3A_668, %eq3A_673 : vector<8x128xi32>
    %and3A_675 = arith.andi %eq3A_671, %eq3A_674 : vector<8x128xi1>
    %jit3A_676 = arith.constant 0.000000e+00 : f32
    %broadcast_in_dim3A_677 = vector.broadcast %reduce_sum3A_666 : f32 to vector<8x128xf32>
    %broadcast_in_dim3A_678 = vector.broadcast %jit3A_676 : f32 to vector<8x128xf32>
    %select_n3A_679 = arith.select %and3A_675, %broadcast_in_dim3A_677, %broadcast_in_dim3A_678 : vector<8x128xi1>, vector<8x128xf32>
    %eq3A_680 = arith.constant 0 : i32
    %eq3A_681 = arith.cmpi eq, %arg0, %eq3A_680 : i32
    %convert_element_type3A_682 = arith.extui %eq3A_681 : i1 to i32
    %cond3A = arith.constant 0 : i32
    %cond3A_683 = arith.cmpi ne, %convert_element_type3A_682, %cond3A : i32
    scf.if %cond3A_683 {
      %broadcast_in_dim3A_690 = arith.constant 0.000000e+00 : f32
      %broadcast_in_dim3A_691 = vector.broadcast %broadcast_in_dim3A_690 : f32 to vector<8x128xf32>
      %swap3A_692 = arith.constant 0 : index
      %swap3A_693 = arith.constant 0 : index
      %swap3A_694 = vector.load %arg5[%swap3A_692, %swap3A_693] : memref<8x128xf32, #tpu.memory_space<vmem>>, vector<8x128xf32>
      tpu.vector_store %arg5[%swap3A_692, %swap3A_693], %broadcast_in_dim3A_691 {strides = array<i32>} : memref<8x128xf32, #tpu.memory_space<vmem>>, vector<8x128xf32>,
    } else {
    }
    %get3A_684 = arith.constant 0 : index
    %get3A_685 = arith.constant 0 : index
    %get3A_686 = vector.load %arg5[%get3A_684, %get3A_685] : memref<8x128xf32, #tpu.memory_space<vmem>>, vector<8x128xf32>
    %add3A_687 = arith.addf %get3A_686, %select_n3A_679 : vector<8x128xf32>
    %swap3A = arith.constant 0 : index
    %swap3A_688 = arith.constant 0 : index
    %swap3A_689 = vector.load %arg5[%swap3A, %swap3A_688] : memref<8x128xf32, #tpu.memory_space<vmem>>, vector<8x128xf32>
    tpu.vector_store %arg5[%swap3A, %swap3A_688], %add3A_687 {strides = array<i32>} : memref<8x128xf32, #tpu.memory_space<vmem>>, vector<8x128xf32>,
    return
  }
  func.func @transform_0(%arg0: i32) -> (i32, i32) {
    %c0_i32 = arith.constant 0 : i32
    %c0_i32_0 = arith.constant 0 : i32
    return %arg0, %c0_i32 : i32, i32
  }
  func.func @transform_1(%arg0: i32) -> (i32, i32) {
    %c0_i32 = arith.constant 0 : i32
    %c0_i32_0 = arith.constant 0 : i32
    %c0_i32_1 = arith.constant 0 : i32
    return %c0_i32, %c0_i32_0 : i32, i32
  }
  func.func @transform_2(%arg0: i32) -> (i32, i32) {
    %c0_i32 = arith.constant 0 : i32
    %c0_i32_0 = arith.constant 0 : i32
    %c0_i32_1 = arith.constant 0 : i32
    return %c0_i32, %c0_i32_0 : i32, i32
  }
  func.func @transform_3(%arg0: i32) -> (i32, i32) {
    %c0_i32 = arith.constant 0 : i32
    %c0_i32_0 = arith.constant 0 : i32
    %c0_i32_1 = arith.constant 0 : i32
    return %c0_i32, %c0_i32_0 : i32, i32
  }
  func.func @transform_4(%arg0: i32) -> (i32, i32) {
    %c0_i32 = arith.constant 0 : i32
    %c0_i32_0 = arith.constant 0 : i32
    %c0_i32_1 = arith.constant 0 : i32
    return %c0_i32, %c0_i32_0 : i32, i32
  }
}

</mosaic_0001>

<sc_bundles>
// kernel: kernel.5.cloned.1.call-start
scs
__scs_entry_jumppad:
0x0: {  	(pc) =	sbr.rel $0x88, $3  }
0x1: {  	(tag) =	ssettag $0x0;
	lr =	simm.s32 $0x1  }
0x2: {  	[smem:$0x3F9D] =	sst lr;
	_ =	strace $0xD0000000  }
0x3: {  	_ = 	snop  }
0x4: {  	_ = 	snop  }
0x5: {  	_ = 	snop  }
0x6: {  	_ = 	snop  }
0x7: {  	_ = 	snop  }
__scs_overlays_trampoline_lowered:
0x8: {  	[smem:$0x3FAC] =	sst s0  }
0x9: {  	[smem:$0x3FAD] =	sst s1  }
0xa: {  	[smem:$0x3FAE] =	sst s2  }
0xb: {  	[smem:$0x3FAF] =	sst s3  }
0xc: {  	[smem:$0x3FB0] =	sst s4  }
0xd: {  	[smem:$0x3FB1] =	sst s5  }
0xe: {  	[smem:$0x3FB2] =	sst s6  }
0xf: {  	[smem:$0x3FB3] =	sst s7  }
0x10: {  	[smem:$0x3FB4] =	sst s8  }
0x11: {  	[smem:$0x3FB5] =	sst s9;
	s0 =	simm.s32 @!p0 $0x0  }
0x12: {  	s1 =	sld [smem:$0x3F9B];
	s0 =	simm.s32 @p0 $0x1  }
0x13: {  	[smem:$0x3FB6] =	sst s0;
	s0 =	simm.s32 @!p1 $0x0  }
0x14: {  	s2 =	sld [smem:$0x3F9A];
	s0 =	simm.s32 @p1 $0x1  }
0x15: {  	[smem:$0x3FB7] =	sst s0;
	s0 =	simm.s32 @!p2 $0x0  }
0x16: {  	s3 =	sld [smem:$0x3FDB];
	s0 =	simm.s32 @p2 $0x1  }
0x17: {  	s4 =	simm.s32 $0x1BF5;
	[smem:$0x3FB9] =	sst s0  }
0x18: {  	s0 =	sld [smem:$0x3F9C];
	_ =	swait.ge [sflag:s4], $0x0  }
0x19: {  	s7 =	sld [smem:$0x3F9D]  }
0x1a: {  	s8 =	sadd.s32 $0xFFFFE003, lr  }
0x1b: {  	s9 =	sadd.s32 $0xFFFFFEF7, lr;
	s5 =	simm.s32 $0xFFFFFFFF;
	p2 =	slt.u32 s8, $0xFFFFF086  }
0x1c: {  	p1 =	slt.u32 s9, $0xF7A;
	s5 =	simm.s32 @!p2 $0x0  }
0x1d: {  	s5 =	simm.s32 @p1 $0x1;
	p0 =	seq.s32 s7, s2  }
0x1e: {  	s7 =	smul.u32 @!p0 $0xF7A, s2;
	p2 =	seq.s32 @!p0 s5, $0x0  }
0x1f: {  	s9 =	smul.u32 $0xF7A, s1;
	s8 =	simm.s32 @!p0 $0x1BF5;
	p2 =	por !p2, p0  }
0x20: {  	[sflag:s8] =	ssyncset.s32 @!p0 $0xFFFFF086;
	s6 =	sadd.s32 @!p0 s3, s7;
	s7 =	simm.s32 @!p0 $0x108  }
0x21: {  	s3 =	sadd.s32 s3, s9;
	s6 =	sadd.s32 @!p0 $0x88, s6;
	s7 =	simm.s32 @p2 $0x1082  }
0x22: {  	[simem:s7], [sflag:s8] =	dma.local @!p0 [hbm:s6], $0xF7A  }
0x23: {  	s9 =	sor.u32 $0xD0000000, s2;
	s6 =	simm.s32 $0x108;
	_ =	swait.ge @!p0 [sflag:s8], $0x0  }
0x24: {  	s3 =	sadd.s32 $0x88, s3;
	s6 =	simm.s32 @!p1 $0x1082;
	[sflag:s4] =	ssyncset.s32 $0xFFFFF086  }
0x25: {  	[simem:s6], [sflag:s4] =	dma.local [hbm:s3], $0xF7A  }
0x26: {  	[smem:$0x3F9D] =	sst s1;
	(tag) =	ssettag s2;
	_ =	strace s9  }
0x27: {  	s1 =	sld [smem:$0x3FAD]  }
0x28: {  	s2 =	sld [smem:$0x3FAE]  }
0x29: {  	s4 =	sld [smem:$0x3FB0]  }
0x2a: {  	p0 =	seq.s32 s5, $0x0;
	s5 =	sld [smem:$0x3FB1]  }
0x2b: {  	s6 =	sld [smem:$0x3FB2]  }
0x2c: {  	s7 =	sld [smem:$0x3FB3]  }
0x2d: {  	s3 =	simm.s32 $0x108;
	s8 =	sld [smem:$0x3FB4]  }
0x2e: {  	s3 =	simm.s32 @!p0 $0x1082;
	s9 =	sld [smem:$0x3FB5]  }
0x2f: {  	lr =	sadd.s32 s0, s3;
	s0 =	sld [smem:$0x3FAC]  }
0x30: {  	s3 =	sld [smem:$0x3FAF]  }
0x31: {  	[smem:$0x3FB8] =	sst s10  }
0x32: {  	s10 =	sld [smem:$0x3FB6];
	_ =	sdelay $0x3  }
0x33: {  	p0 =	seq.s32 s10, $0x1;
	s10 =	sld [smem:$0x3FB8];
	_ =	sdelay $0x3  }
0x34: {  	[smem:$0x3FB8] =	sst s10  }
0x35: {  	s10 =	sld [smem:$0x3FB7];
	_ =	sdelay $0x3  }
0x36: {  	p1 =	seq.s32 s10, $0x1;
	s10 =	sld [smem:$0x3FB8];
	_ =	sdelay $0x3  }
0x37: {  	[smem:$0x3FB8] =	sst s10  }
0x38: {  	s10 =	sld [smem:$0x3FB9]  }
0x39: {  	_ = 	snop;
	(pc) =	sbr.ind lr, $3  }
0x3a: {  	_ = 	snop  }
0x3b: {  	_ = 	snop  }
0x3c: {  	p2 =	seq.s32 s10, $0x1;
	s10 =	sld [smem:$0x3FB8]  }
0x3d: {  	_ =	shalt  }
0x3e: {  	_ =	shalt  }
0x3f: {  	_ =	shalt  }
0x40: {  	_ =	shalt  }
0x41: {  	_ =	shalt  }
0x42: {  	_ =	shalt  }
0x43: {  	_ =	shalt  }
0x44: {  	_ =	shalt  }
0x45: {  	_ =	shalt  }
0x46: {  	_ =	shalt  }
0x47: {  	_ =	shalt  }
0x48: {  	_ =	shalt  }
0x49: {  	_ =	shalt  }
0x4a: {  	_ =	shalt  }
0x4b: {  	_ =	shalt  }
0x4c: {  	_ =	shalt  }
0x4d: {  	_ =	shalt  }
0x4e: {  	_ =	shalt  }
0x4f: {  	_ =	shalt  }
0x50: {  	_ =	shalt  }
0x51: {  	_ =	shalt  }
0x52: {  	_ =	shalt  }
0x53: {  	_ =	shalt  }
0x54: {  	_ =	shalt  }
0x55: {  	_ =	shalt  }
0x56: {  	_ =	shalt  }
0x57: {  	_ =	shalt  }
0x58: {  	_ =	shalt  }
0x59: {  	_ =	shalt  }
0x5a: {  	_ =	shalt  }
0x5b: {  	_ =	shalt  }
0x5c: {  	_ =	shalt  }
0x5d: {  	_ =	shalt  }
0x5e: {  	_ =	shalt  }
0x5f: {  	_ =	shalt  }
0x60: {  	_ =	shalt  }
0x61: {  	_ =	shalt  }
0x62: {  	_ =	shalt  }
0x63: {  	_ =	shalt  }
0x64: {  	_ =	shalt  }
0x65: {  	_ =	shalt  }
0x66: {  	_ =	shalt  }
0x67: {  	_ =	shalt  }
0x68: {  	_ =	shalt  }
0x69: {  	_ =	shalt  }
0x6a: {  	_ =	shalt  }
0x6b: {  	_ =	shalt  }
0x6c: {  	_ =	shalt  }
0x6d: {  	_ =	shalt  }
0x6e: {  	_ =	shalt  }
0x6f: {  	_ =	shalt  }
0x70: {  	_ =	shalt  }
0x71: {  	_ =	shalt  }
0x72: {  	_ =	shalt  }
0x73: {  	_ =	shalt  }
0x74: {  	_ =	shalt  }
0x75: {  	_ =	shalt  }
0x76: {  	_ =	shalt  }
0x77: {  	_ =	shalt  }
0x78: {  	_ =	shalt  }
0x79: {  	_ =	shalt  }
0x7a: {  	_ =	shalt  }
0x7b: {  	_ =	shalt  }
0x7c: {  	_ =	shalt  }
0x7d: {  	_ =	shalt  }
0x7e: {  	_ =	shalt  }
0x7f: {  	_ =	shalt  }
0x80: {  	_ =	shalt  }
0x81: {  	_ =	shalt  }
0x82: {  	_ =	shalt  }
0x83: {  	_ =	shalt  }
0x84: {  	_ =	shalt  }
0x85: {  	_ =	shalt  }
0x86: {  	_ =	shalt  }
0x87: {  	_ =	shalt  }
.Lfunc_end0:
.L_simem_size_0:
called_computation_lowered:
.L_overlay_start_0:
0x88: {  	s2 =	sld [smem:$0x3FD9]  }
0x89: {  	s3 =	sld [smem:$0x3FFE];
	_ =	sdelay $0x1  }
0x8a: {  	s1 =	srdreg.scid  }
0x8b: {  	s0 =	sand.u32 $0x1, s1  }
0x8c: {  	s16 =	sshll.u32 s0, $0xA;
	s2 =	sadd.s32 s3, s2  }
0x8d: {  	s2 =	sadd.s32 s2, s16  }
0x8e: {  	[smem:$0x3FC4] =	sst s2  }
0x8f: {  	_ = 	snop  }
0x90: {  	(tm) =	ssettm $0x1  }
0x91: {  	s17 =	sld [smem:$0x3FFB];
	_ =	sdelay $0x3  }
0x92: {  	_ =	strace s17  }
0x93: {  	s2 =	sld [smem:$0x3FFC];
	_ =	sdelay $0x3  }
0x94: {  	_ =	strace s2  }
0x95: {  	s2 =	sld [smem:$0x3FFD];
	_ =	sdelay $0x3  }
0x96: {  	_ =	strace s2  }
0x97: {  	_ =	strace $0x8FFFFFFF  }
0x98: {  	s18 =	sld [smem:$0x3FDB];
	_ =	sdelay $0x1  }
0x99: {  	s19 =	simm.s32 $_scs_section_size  }
0x9a: {  	s4 =	simm.s32 $_size__tile_overlayer_lowered;
	s5 =	simm.s32 $_tile_overlayer_lowered  }
0x9b: {  	s22 =	simm.s32 $0x1BFF;
	s21 =	sshll.u32 s5, $0x1;
	s2 =	sadd.s32 s19, s18  }
0x9c: {  	s6 =	simm.s32 $0x0;
	s20 =	sshll.u32 s4, $0x1;
	s4 =	sadd.s32 s21, s2  }
0x9d: {  	[timem:s6], [sflag:s22] =	dma.local [hbm:s4], s20  }
0x9e: {  	_ =	swait.ge [sflag:s22], s20  }
0x9f: {  	s3 =	ssub.s32 $0x0, s20;
	[sflag:s22] =	ssyncset.done $0x0  }
0xa0: {  	[sflag:s22] =	ssyncadd.s32 s3;
	_ =	sdelay $0x1  }
0xa1: {  	s23 =	simm.s32 $0x1B8B  }
0xa2: {  	_ =	swait.ge [sflag:s23], $0x1  }
0xa3: {  	[sflag:s23] =	ssyncset.done $0x0  }
0xa4: {  	s25 =	simm.s32 $0x1B8E;
	s24 =	sld [smem:$0x3FFE];
	[sflag:s23] =	ssyncadd.s32 $0xFFFFFFFF  }
0xa5: {  	s26 =	simm.s32 $execute0_lowered;
	[smem:$0x3FD2] =	sst s25  }
0xa6: {  	s4 =	sshll.u32 s26, $0x1;
	_ =	strace $0x80000046;
	[dreg:$0x1] =	wrdreg $0xFFFFFFFF  }
0xa7: {  	s28 =	simm.s32 $_size_execute0_lowered;
	s2 =	sadd.s32 s2, s4;
	[dreg:$0x0] =	wrdreg $0x0  }
0xa8: {  	s4 =	sshll.u32 s28, $0x1;
	[dreg:$0x2] =	wrdreg s2  }
0xa9: {  	[dreg:$0x3] =	wrdreg s4  }
0xaa: {  	[dreg:$0x4] =	wrdreg $0xC0  }
0xab: {  	_ =	task [dreg:s6], $0x5FFFF  }
0xac: {  	[dreg:$0x1] =	wrdreg $0xFFFFFFFF  }
0xad: {  	[dreg:$0x0] =	wrdreg $0x60  }
0xae: {  	[dreg:$0x2] =	wrdreg s24  }
0xaf: {  	[dreg:$0x3] =	wrdreg $0x9  }
0xb0: {  	_ =	task.clear_ibuf [dreg:s6], $0x4FFFF;
	_ =	strace $0x90000046  }
0xb1: {  	s29 =	simm.s32 $0x9;
	_ =	strace $0x80000048  }
0xb2: {  	_ =	swait.ge [sflag:s29], $0x1  }
0xb3: {  	[sflag:s29] =	ssyncadd.s32 $0xFFFFFFFF  }
0xb4: {  	_ =	strace $0x90000048  }
0xb5: {  	_ =	sfence  }
0xb6: {  	s30 =	sld [smem:$0x0];
	_ =	sdelay $0x2  }
0xb7: {  	s31 =	sshll.u32 s1, $0xD;
	s1 =	sshrl.u32 s1, $0x2  }
0xb8: {  	s3 =	sand.u32 $0x4000, s31;
	s1 =	sadd.s32 s1, s30  }
0xb9: {  	s0 =	sor.u32 s3, s0;
	s1 =	sshll.u32 s1, $0x11  }
0xba: {  	s0 =	sor.u32 s1, s0  }
0xbb: {  	s0 =	sadd.s32 $0x8F2B, s0  }
0xbc: {  	[sflag:s0] =	ssyncadd.remote.s32 $0x1  }
0xbd: {  	_ =	sfence.sel $0xFFFF  }
0xbe: {  	[dreg:$0x0] =	wrdreg $0xFFFFFFFF;
	(pc) =	sbr.abs _section_cstart, $3  }
0xbf: {  	[dreg:$0x1] =	wrdreg $0xFFFFFFFF  }
0xc0: {  	_ =	task.clear_ibuf [dreg:s6], $0x2FFFF;
	_ =	strace $0x9FFFFFFF  }
0xc1: {  	(tm) =	ssettm $0x7FFFFFFF  }
tec
execute0_lowered:
.L_overlay_start_1:
0x0: {  	(tag) =	ssettag $0x1  }
0x1: {  	s1 =	srdreg.scid;
	s0 =	stileid.u32  }
0x2: {  	s11 =	sand.u32 $0x1, s1;
	s26 =	sshll.u32 s0, $0x1  }
0x3: {  	s9 =	sor.u32 s11, s26  }
0x4: {  	s10 =	rddreg [dreg:$0x0];
	s12 =	smul.u32 $0xC0, s9  }
0x5: {  	s2 =	simm.s32 $0x0;
	s1 =	rddreg [dreg:$0x1]  }
0x6: {  	[smem:$0x7FF] =	sst s2;
	s13 =	sadd.s32 $0x600, s10;
	s3 =	sshrl.u32 s12, $0x3  }
0x7: {  	_ =	strace $0x80000047;
	s4 =	sadd.s32 s13, s3;
	s3 =	simm.s32 $0x2  }
0x8: {  	[tilespmem:s2], [sflag:$0x2] =	stream.linear.gather [hbm4b:s4+s2], $0x60, $0x38;
	[tilespmem:$0x3080] =	vst v63  }
0x9: {  	_ =	swait.ge [sflag:s3], $0x60  }
0xa: {  	s6 =	simm.s32 $0x60;
	s7 =	simm.s32 $0x80;
	[sflag:s3] =	ssyncset.done $0x0  }
0xb: {  	s8 =	simm.s32 $0x1;
	s5 =	sadd.s32 $0xA00, s10;
	[sflag:s3] =	ssyncadd.s32 $0xFFFFFFA0  }
0xc: {  	[tilespmem:s7], [sflag:$0x1] =	stream.indirect.gather [hbm4b:s5+s6], $0x80, s2, s6, $0xb8;
	[tilespmem:$0x3080] =	vst v63  }
0xd: {  	s9 =	smul.u32 $0xC00, s9;
	_ =	swait.ge [sflag:s8], $0x3000  }
0xe: {  	s14 =	sadd.s32 $0x4A00, s10;
	[sflag:s8] =	ssyncset.done $0x0  }
0xf: {  	s9 =	sadd.s32 s14, s9;
	[sflag:s8] =	ssyncadd.s32 $0xFFFFD000  }
0x10: {  	[hbm4b:s9+s2] =	stream.linear.scatter [tilespmem:s7], [sflag:$0x2], $0x3000, $0x38;
	[tilespmem:$0x3080] =	vst v63  }
0x11: {  	s12 =	sadd.s32 $0x60, s12;
	_ =	swait.ge [sflag:s3], $0x3000  }
0x12: {  	s28 =	sshrl.u32 s12, $0x3;
	[sflag:s3] =	ssyncset.done $0x0  }
0x13: {  	s11 =	ssub.s32 $0x2, s11;
	s10 =	sadd.s32 s13, s28;
	[sflag:s3] =	ssyncadd.s32 $0xFFFFD000  }
0x14: {  	[tilespmem:s2], [sflag:$0x2] =	stream.linear.gather [hbm4b:s10+s2], $0x60, $0x38;
	[tilespmem:$0x3080] =	vst v63  }
0x15: {  	s29 =	sshrl.u32 s11, $0x1;
	_ =	swait.ge [sflag:s3], $0x60  }
0x16: {  	s13 =	ssub.s32 s11, s29;
	[sflag:s3] =	ssyncset.done $0x0  }
0x17: {  	s31 =	smax.u32 s13, $0x1;
	[sflag:s3] =	ssyncadd.s32 $0xFFFFFFA0  }
0x18: {  	[tilespmem:s7], [sflag:$0x1] =	stream.indirect.gather [hbm4b:s5+s6], $0x80, s2, s6, $0xb8;
	[tilespmem:$0x3080] =	vst v63  }
0x19: {  	p0 =	sne.s32 s31, $0x1;
	_ =	swait.ge [sflag:s8], $0x3000  }
.Ltmp0:
0x1a: {  	s30 =	sshll.u32 s12, $0x4;
	[sflag:s8] =	ssyncset.done $0x0;
	(pc) =	sbr.rel @!p0 .LBB2_2-.Ltmp0, $4  }
0x1b: {  	s11 =	sadd.s32 s14, s30;
	[sflag:s8] =	ssyncadd.s32 $0xFFFFD000  }
0x1c: {  	[hbm4b:s11+s2] =	stream.linear.scatter [tilespmem:s7], [sflag:$0x2], $0x3000, $0x38;
	[tilespmem:$0x3080] =	vst v63  }
0x1d: {  	_ =	swait.ge [sflag:s3], $0x3000  }
0x1e: {  	s12 =	sadd.s32 $0xFFFFFFFF, s31;
	[sflag:s3] =	ssyncset.done $0x0  }
.LBB2_1:
0x1f: {  	p0 =	sne.s32 s12, $0x1;
	s12 =	sadd.s32 $0xFFFFFFFF, s12;
	[sflag:s3] =	ssyncadd.s32 $0xFFFFD000  }
0x20: {  	[tilespmem:s2], [sflag:$0x2] =	stream.linear.gather [hbm4b:s4+s2], $0x60, $0x38;
	[tilespmem:$0x3080] =	vst v63  }
0x21: {  	_ =	swait.ge [sflag:s3], $0x60  }
0x22: {  	[sflag:s3] =	ssyncset.done $0x0  }
0x23: {  	[sflag:s3] =	ssyncadd.s32 $0xFFFFFFA0  }
0x24: {  	[tilespmem:s7], [sflag:$0x1] =	stream.indirect.gather [hbm4b:s5+s6], $0x80, s2, s6, $0xb8;
	[tilespmem:$0x3080] =	vst v63  }
0x25: {  	_ =	swait.ge [sflag:s8], $0x3000  }
0x26: {  	[sflag:s8] =	ssyncset.done $0x0  }
0x27: {  	[sflag:s8] =	ssyncadd.s32 $0xFFFFD000  }
0x28: {  	[hbm4b:s9+s2] =	stream.linear.scatter [tilespmem:s7], [sflag:$0x2], $0x3000, $0x38;
	[tilespmem:$0x3080] =	vst v63  }
0x29: {  	_ =	swait.ge [sflag:s3], $0x3000  }
0x2a: {  	[sflag:s3] =	ssyncset.done $0x0  }
0x2b: {  	[sflag:s3] =	ssyncadd.s32 $0xFFFFD000  }
0x2c: {  	[tilespmem:s2], [sflag:$0x2] =	stream.linear.gather [hbm4b:s10+s2], $0x60, $0x38;
	[tilespmem:$0x3080] =	vst v63  }
0x2d: {  	_ =	swait.ge [sflag:s3], $0x60  }
0x2e: {  	[sflag:s3] =	ssyncset.done $0x0  }
0x2f: {  	[sflag:s3] =	ssyncadd.s32 $0xFFFFFFA0  }
0x30: {  	[tilespmem:s7], [sflag:$0x1] =	stream.indirect.gather [hbm4b:s5+s6], $0x80, s2, s6, $0xb8;
	[tilespmem:$0x3080] =	vst v63  }
0x31: {  	_ =	swait.ge [sflag:s8], $0x3000  }
.Ltmp1:
0x32: {  	[sflag:s8] =	ssyncset.done $0x0;
	(pc) =	sbr.rel @p0 .LBB2_1-.Ltmp1, $4  }
0x33: {  	[sflag:s8] =	ssyncadd.s32 $0xFFFFD000  }
0x34: {  	[hbm4b:s11+s2] =	stream.linear.scatter [tilespmem:s7], [sflag:$0x2], $0x3000, $0x38;
	[tilespmem:$0x3080] =	vst v63  }
0x35: {  	_ =	swait.ge [sflag:s3], $0x3000  }
0x36: {  	[sflag:s3] =	ssyncset.done $0x0  }
.LBB2_2:
0x37: {  	[sflag:s3] =	ssyncadd.s32 $0xFFFFD000  }
0x38: {  	_ =	sfence.sel $0x180000  }
0x39: {  	[bflag:$0x0] =	sbarrier.arrive $0xFFFF  }
0x3a: {  	p0 =	sne.s32 s0, $0x0;
	_ =	strace $0x90000047  }
0x3b: {  	s0 =	sadd.s32 @!p0 $0x100000, s1;
	[bflag:$0x2] =	sbarrier.arrive $0xFFFF  }
0x3c: {  	[sflag:s0] =	ssyncadd.tile.s32 @!p0 $0x1;
	_ =	shalt  }
.Lfunc_end2:
_tile_overlayer_lowered:
.L_overlay_start_2:
0x3d: {  	(tag) =	ssettag $0x2  }
0x3e: {  	s0 =	rddreg [dreg:$0x0];
	s2 =	stileid.u32  }
0x3f: {  	s1 =	rddreg [dreg:$0x1];
	p0 =	sne.s32 s2, $0x0  }
0x40: {  	s3 =	rddreg [dreg:$0x2];
	[bflag:$0x3] =	sbarrier.arrive $0xFFFF;
	s2 =	simm.s32 @!p0 $0x1C02  }
0x41: {  	[timem:s3], [sflag:s2] =	dma.local @!p0 [hbm:s0], s1  }
0x42: {  	s0 =	simm.s32 @!p0 $0x2  }
0x43: {  	_ =	swait.ge @!p0 [sflag:s0], s1  }
0x44: {  	s1 =	ssub.s32 @!p0 $0x0, s1;
	[sflag:s0] =	ssyncset.done @!p0 $0x0  }
0x45: {  	[sflag:s0] =	ssyncadd.s32 @!p0 s1  }
0x46: {  	[bflag:$0x3] =	sbarrier.arrive $0xFFFF  }
0x47: {  	_ =	shalt  }

</sc_bundles>
